<compile_context>
chip_gen: v7x
topology: tpu7x:2x2x1
jax: 0.10.2.dev20260603
libtpu: 0.0.44.dev20260713+nightly
codegen_flags: <defaults>
</compile_context>

<pallas_src>
import jax
import jax.numpy as jnp
from jax import lax
from jax.experimental import pallas as pl
from jax.experimental.pallas import tpu as pltpu
from jax.experimental.pallas import tpu_sc as plsc

VOCAB = 100000
N_EMBD = 64
BATCH = 16384
SEQ = 200

NC = 2
NS = 16
NW = NC * NS

B_TOTAL = BATCH * SEQ
B_PER_W = B_TOTAL // NW
NB = 8
HC = 200
N_OUTER = B_PER_W // (NB * HC)


def _emb_kernel(idx_hbm, table_hbm, out_hbm, idx_v, rows_v, isems, gsems,
                wsems):
  wid = lax.axis_index("s") * NC + lax.axis_index("c")
  base = wid * B_PER_W

  def idx_slice(t):
    return idx_hbm.at[pl.ds(pl.multiple_of(base + t * HC, 8), HC)]

  for b in range(NB):
    pltpu.async_copy(idx_slice(b), idx_v.at[b], isems.at[b])

  def body(i, _):
    t0 = NB * i
    gathers = []
    for b in range(NB):
      @pl.when(i > 0)
      def _wb_done():
        pltpu.make_async_copy(
            rows_v.at[b], out_hbm.at[pl.ds(0, HC)], wsems.at[b]
        ).wait()
      pltpu.make_async_copy(idx_slice(0), idx_v.at[b], isems.at[b]).wait()
      gathers.append(pltpu.async_copy(
          table_hbm.at[idx_v.at[b]], rows_v.at[b], gsems.at[b]))
    for b in range(NB):
      gathers[b].wait()
      row0 = base + (t0 + b) * HC
      pltpu.async_copy(rows_v.at[b], out_hbm.at[pl.ds(row0, HC)],
                       wsems.at[b])
      @pl.when(i < N_OUTER - 1)
      def _prefetch():
        pltpu.async_copy(idx_slice(t0 + NB + b), idx_v.at[b], isems.at[b])
    return ()

  lax.fori_loop(0, N_OUTER, body, ())

  for b in range(NB):
    pltpu.make_async_copy(
        rows_v.at[b], out_hbm.at[pl.ds(0, HC)], wsems.at[b]
    ).wait()


@jax.jit
def _embedding_lookup(idx_flat, table):
  mesh = plsc.VectorSubcoreMesh(
      core_axis_name="c", subcore_axis_name="s", num_cores=NC, num_subcores=NS
  )
  f = pl.kernel(
      _emb_kernel,
      out_type=jax.ShapeDtypeStruct((B_TOTAL, N_EMBD), jnp.float32),
      mesh=mesh,
      scratch_types=[
          pltpu.VMEM((NB, HC), jnp.int32),
          pltpu.VMEM((NB, HC, N_EMBD), jnp.float32),
          pltpu.SemaphoreType.DMA((NB,)),
          pltpu.SemaphoreType.DMA((NB,)),
          pltpu.SemaphoreType.DMA((NB,)),
      ],
      compiler_params=pltpu.CompilerParams(use_tc_tiling_on_sc=False),
  )
  return f(idx_flat, table)


def kernel(idx, table):
  out = _embedding_lookup(idx.reshape(-1), table)
  return out.reshape(BATCH, SEQ, N_EMBD)

# --- scband reference (transcript-rebuilt; emitter-appended) ---
"""Pipeline reference for scband-token-embedding-12206297055237 (READ-ONLY COPY).

The authoritative reference and input builder live on the scoring server;
editing this copy changes nothing except your own understanding.
"""

import jax, jax.numpy as jnp
import numpy as np

VOCAB = 100000
N_EMBD = 64
BATCH = 16384
SEQ = 200

def setup_inputs(seed: int = 0) -> dict:
    key = jax.random.key(seed)
    k_idx, k_tab = jax.random.split(key)
    idx = jax.random.randint(k_idx, (BATCH, SEQ), 0, VOCAB, dtype=jnp.int64 if jax.config.jax_enable_x64 else jnp.int32).astype(jnp.int32)
    table = jax.random.normal(k_tab, (VOCAB, N_EMBD), dtype=jnp.float32) * 0.02
    return {"idx": idx, "table": table}

def reference(idx, table):
    # Faithful translation of nnx.Embed lookup: out[b, l, :] = table[idx[b, l], :]
    return jnp.take(table, idx, axis=0)

if __name__ == "__main__":
    import jax
    _d = setup_inputs()
    print(jax.jit(kernel)(*tuple(_d.values())))

</pallas_src>

<mosaic_0001>
#map = affine_map<(d0, d1) -> (0)>
#map1 = affine_map<(d0, d1) -> (0, 0)>
module attributes {stable_mosaic.version = 14 : i64} {
  func.func @_emb_kernel(%arg0: i32, %arg1: i32, %arg2: memref<3276800xi32, #tpu.memory_space<hbm>>, %arg3: memref<100000x64xf32, #tpu.memory_space<hbm>>, %arg4: memref<3276800x64xf32, #tpu.memory_space<hbm>>, %arg5: memref<8x200xi32, #tpu.memory_space<vmem>>, %arg6: memref<8x200x64xf32, #tpu.memory_space<vmem>>, %arg7: memref<8x!tpu.dma_semaphore, #tpu.memory_space<semaphore_mem>>, %arg8: memref<8x!tpu.dma_semaphore, #tpu.memory_space<semaphore_mem>>, %arg9: memref<8x!tpu.dma_semaphore, #tpu.memory_space<semaphore_mem>>) attributes {dimension_semantics = [#tpu.dimension_semantics<core_parallel>, #tpu.dimension_semantics<subcore_parallel>], iteration_bounds = array<i64: 2, 16>, scalar_prefetch = 0 : i64, scratch_operands = 5 : i64, tpu.core_type = #tpu.core_type<sc_vector_subcore>, window_params = [{transform_indices = #map}, {transform_indices = #map1}, {transform_indices = #map1}]} {
    %mul3A = arith.constant 2 : i32
    %mul3A_0 = arith.muli %arg1, %mul3A : i32
    %add3A = arith.addi %mul3A_0, %arg0 : i32
    %mul3A_1 = arith.constant 102400 : i32
    %mul3A_2 = arith.muli %add3A, %mul3A_1 : i32
    %add3A_3 = arith.constant 0 : i32
    %add3A_4 = arith.addi %mul3A_2, %add3A_3 : i32
    %multiple_of3A = tpu.assume_multiple %add3A_4, 8 : i32
    %dma_start3A = arith.constant 0 : i32
    %dma_start3A_5 = arith.constant 0 : i32
    %dma_start3A_6 = arith.constant 0 : i32
    %dma_start3A_7 = tpu.memref_slice %arg5[%dma_start3A, %dma_start3A_6] : memref<8x200xi32, #tpu.memory_space<vmem>> -> memref<1x200xi32, #tpu.memory_space<vmem>>
    %dma_start3A_8 = tpu.memref_squeeze %dma_start3A_7 : memref<1x200xi32, #tpu.memory_space<vmem>> -> memref<200xi32, #tpu.memory_space<vmem>>
    %dma_start3A_9 = tpu.memref_slice %arg2[%multiple_of3A] : memref<3276800xi32, #tpu.memory_space<hbm>> -> memref<200xi32, #tpu.memory_space<hbm>>
    %dma_start3A_10 = tpu.memref_slice %arg7[%dma_start3A_5] : memref<8x!tpu.dma_semaphore, #tpu.memory_space<semaphore_mem>> -> memref<1x!tpu.dma_semaphore, #tpu.memory_space<semaphore_mem>>
    %dma_start3A_11 = tpu.memref_squeeze %dma_start3A_10 : memref<1x!tpu.dma_semaphore, #tpu.memory_space<semaphore_mem>> -> memref<!tpu.dma_semaphore, #tpu.memory_space<semaphore_mem>>
    %dma_start3A_12 = arith.constant 0 : i32
    %dma_start3A_13 = tpu.memref_slice %arg5[%dma_start3A, %dma_start3A_12] : memref<8x200xi32, #tpu.memory_space<vmem>> -> memref<1x200xi32, #tpu.memory_space<vmem>>
    %dma_start3A_14 = tpu.memref_squeeze %dma_start3A_13 : memref<1x200xi32, #tpu.memory_space<vmem>> -> memref<200xi32, #tpu.memory_space<vmem>>
    %dma_start3A_15 = tpu.memref_slice %arg2[%multiple_of3A] : memref<3276800xi32, #tpu.memory_space<hbm>> -> memref<200xi32, #tpu.memory_space<hbm>>
    tpu.enqueue_dma source(%dma_start3A_15 : memref<200xi32, #tpu.memory_space<hbm>>) target(%dma_start3A_14 : memref<200xi32, #tpu.memory_space<vmem>>) target_semaphore(%dma_start3A_11 : memref<!tpu.dma_semaphore, #tpu.memory_space<semaphore_mem>>)
    %add3A_16 = arith.constant 200 : i32
    %add3A_17 = arith.addi %mul3A_2, %add3A_16 : i32
    %multiple_of3A_18 = tpu.assume_multiple %add3A_17, 8 : i32
    %dma_start3A_19 = arith.constant 1 : i32
    %dma_start3A_20 = arith.constant 1 : i32
    %dma_start3A_21 = arith.constant 0 : i32
    %dma_start3A_22 = tpu.memref_slice %arg5[%dma_start3A_19, %dma_start3A_21] : memref<8x200xi32, #tpu.memory_space<vmem>> -> memref<1x200xi32, #tpu.memory_space<vmem>>
    %dma_start3A_23 = tpu.memref_squeeze %dma_start3A_22 : memref<1x200xi32, #tpu.memory_space<vmem>> -> memref<200xi32, #tpu.memory_space<vmem>>
    %dma_start3A_24 = tpu.memref_slice %arg2[%multiple_of3A_18] : memref<3276800xi32, #tpu.memory_space<hbm>> -> memref<200xi32, #tpu.memory_space<hbm>>
    %dma_start3A_25 = tpu.memref_slice %arg7[%dma_start3A_20] : memref<8x!tpu.dma_semaphore, #tpu.memory_space<semaphore_mem>> -> memref<1x!tpu.dma_semaphore, #tpu.memory_space<semaphore_mem>>
    %dma_start3A_26 = tpu.memref_squeeze %dma_start3A_25 : memref<1x!tpu.dma_semaphore, #tpu.memory_space<semaphore_mem>> -> memref<!tpu.dma_semaphore, #tpu.memory_space<semaphore_mem>>
    %dma_start3A_27 = arith.constant 0 : i32
    %dma_start3A_28 = tpu.memref_slice %arg5[%dma_start3A_19, %dma_start3A_27] : memref<8x200xi32, #tpu.memory_space<vmem>> -> memref<1x200xi32, #tpu.memory_space<vmem>>
    %dma_start3A_29 = tpu.memref_squeeze %dma_start3A_28 : memref<1x200xi32, #tpu.memory_space<vmem>> -> memref<200xi32, #tpu.memory_space<vmem>>
    %dma_start3A_30 = tpu.memref_slice %arg2[%multiple_of3A_18] : memref<3276800xi32, #tpu.memory_space<hbm>> -> memref<200xi32, #tpu.memory_space<hbm>>
    tpu.enqueue_dma source(%dma_start3A_30 : memref<200xi32, #tpu.memory_space<hbm>>) target(%dma_start3A_29 : memref<200xi32, #tpu.memory_space<vmem>>) target_semaphore(%dma_start3A_26 : memref<!tpu.dma_semaphore, #tpu.memory_space<semaphore_mem>>)
    %add3A_31 = arith.constant 400 : i32
    %add3A_32 = arith.addi %mul3A_2, %add3A_31 : i32
    %multiple_of3A_33 = tpu.assume_multiple %add3A_32, 8 : i32
    %dma_start3A_34 = arith.constant 2 : i32
    %dma_start3A_35 = arith.constant 2 : i32
    %dma_start3A_36 = arith.constant 0 : i32
    %dma_start3A_37 = tpu.memref_slice %arg5[%dma_start3A_34, %dma_start3A_36] : memref<8x200xi32, #tpu.memory_space<vmem>> -> memref<1x200xi32, #tpu.memory_space<vmem>>
    %dma_start3A_38 = tpu.memref_squeeze %dma_start3A_37 : memref<1x200xi32, #tpu.memory_space<vmem>> -> memref<200xi32, #tpu.memory_space<vmem>>
    %dma_start3A_39 = tpu.memref_slice %arg2[%multiple_of3A_33] : memref<3276800xi32, #tpu.memory_space<hbm>> -> memref<200xi32, #tpu.memory_space<hbm>>
    %dma_start3A_40 = tpu.memref_slice %arg7[%dma_start3A_35] : memref<8x!tpu.dma_semaphore, #tpu.memory_space<semaphore_mem>> -> memref<1x!tpu.dma_semaphore, #tpu.memory_space<semaphore_mem>>
    %dma_start3A_41 = tpu.memref_squeeze %dma_start3A_40 : memref<1x!tpu.dma_semaphore, #tpu.memory_space<semaphore_mem>> -> memref<!tpu.dma_semaphore, #tpu.memory_space<semaphore_mem>>
    %dma_start3A_42 = arith.constant 0 : i32
    %dma_start3A_43 = tpu.memref_slice %arg5[%dma_start3A_34, %dma_start3A_42] : memref<8x200xi32, #tpu.memory_space<vmem>> -> memref<1x200xi32, #tpu.memory_space<vmem>>
    %dma_start3A_44 = tpu.memref_squeeze %dma_start3A_43 : memref<1x200xi32, #tpu.memory_space<vmem>> -> memref<200xi32, #tpu.memory_space<vmem>>
    %dma_start3A_45 = tpu.memref_slice %arg2[%multiple_of3A_33] : memref<3276800xi32, #tpu.memory_space<hbm>> -> memref<200xi32, #tpu.memory_space<hbm>>
    tpu.enqueue_dma source(%dma_start3A_45 : memref<200xi32, #tpu.memory_space<hbm>>) target(%dma_start3A_44 : memref<200xi32, #tpu.memory_space<vmem>>) target_semaphore(%dma_start3A_41 : memref<!tpu.dma_semaphore, #tpu.memory_space<semaphore_mem>>)
    %add3A_46 = arith.constant 600 : i32
    %add3A_47 = arith.addi %mul3A_2, %add3A_46 : i32
    %multiple_of3A_48 = tpu.assume_multiple %add3A_47, 8 : i32
    %dma_start3A_49 = arith.constant 3 : i32
    %dma_start3A_50 = arith.constant 3 : i32
    %dma_start3A_51 = arith.constant 0 : i32
    %dma_start3A_52 = tpu.memref_slice %arg5[%dma_start3A_49, %dma_start3A_51] : memref<8x200xi32, #tpu.memory_space<vmem>> -> memref<1x200xi32, #tpu.memory_space<vmem>>
    %dma_start3A_53 = tpu.memref_squeeze %dma_start3A_52 : memref<1x200xi32, #tpu.memory_space<vmem>> -> memref<200xi32, #tpu.memory_space<vmem>>
    %dma_start3A_54 = tpu.memref_slice %arg2[%multiple_of3A_48] : memref<3276800xi32, #tpu.memory_space<hbm>> -> memref<200xi32, #tpu.memory_space<hbm>>
    %dma_start3A_55 = tpu.memref_slice %arg7[%dma_start3A_50] : memref<8x!tpu.dma_semaphore, #tpu.memory_space<semaphore_mem>> -> memref<1x!tpu.dma_semaphore, #tpu.memory_space<semaphore_mem>>
    %dma_start3A_56 = tpu.memref_squeeze %dma_start3A_55 : memref<1x!tpu.dma_semaphore, #tpu.memory_space<semaphore_mem>> -> memref<!tpu.dma_semaphore, #tpu.memory_space<semaphore_mem>>
    %dma_start3A_57 = arith.constant 0 : i32
    %dma_start3A_58 = tpu.memref_slice %arg5[%dma_start3A_49, %dma_start3A_57] : memref<8x200xi32, #tpu.memory_space<vmem>> -> memref<1x200xi32, #tpu.memory_space<vmem>>
    %dma_start3A_59 = tpu.memref_squeeze %dma_start3A_58 : memref<1x200xi32, #tpu.memory_space<vmem>> -> memref<200xi32, #tpu.memory_space<vmem>>
    %dma_start3A_60 = tpu.memref_slice %arg2[%multiple_of3A_48] : memref<3276800xi32, #tpu.memory_space<hbm>> -> memref<200xi32, #tpu.memory_space<hbm>>
    tpu.enqueue_dma source(%dma_start3A_60 : memref<200xi32, #tpu.memory_space<hbm>>) target(%dma_start3A_59 : memref<200xi32, #tpu.memory_space<vmem>>) target_semaphore(%dma_start3A_56 : memref<!tpu.dma_semaphore, #tpu.memory_space<semaphore_mem>>)
    %add3A_61 = arith.constant 800 : i32
    %add3A_62 = arith.addi %mul3A_2, %add3A_61 : i32
    %multiple_of3A_63 = tpu.assume_multiple %add3A_62, 8 : i32
    %dma_start3A_64 = arith.constant 4 : i32
    %dma_start3A_65 = arith.constant 4 : i32
    %dma_start3A_66 = arith.constant 0 : i32
    %dma_start3A_67 = tpu.memref_slice %arg5[%dma_start3A_64, %dma_start3A_66] : memref<8x200xi32, #tpu.memory_space<vmem>> -> memref<1x200xi32, #tpu.memory_space<vmem>>
    %dma_start3A_68 = tpu.memref_squeeze %dma_start3A_67 : memref<1x200xi32, #tpu.memory_space<vmem>> -> memref<200xi32, #tpu.memory_space<vmem>>
    %dma_start3A_69 = tpu.memref_slice %arg2[%multiple_of3A_63] : memref<3276800xi32, #tpu.memory_space<hbm>> -> memref<200xi32, #tpu.memory_space<hbm>>
    %dma_start3A_70 = tpu.memref_slice %arg7[%dma_start3A_65] : memref<8x!tpu.dma_semaphore, #tpu.memory_space<semaphore_mem>> -> memref<1x!tpu.dma_semaphore, #tpu.memory_space<semaphore_mem>>
    %dma_start3A_71 = tpu.memref_squeeze %dma_start3A_70 : memref<1x!tpu.dma_semaphore, #tpu.memory_space<semaphore_mem>> -> memref<!tpu.dma_semaphore, #tpu.memory_space<semaphore_mem>>
    %dma_start3A_72 = arith.constant 0 : i32
    %dma_start3A_73 = tpu.memref_slice %arg5[%dma_start3A_64, %dma_start3A_72] : memref<8x200xi32, #tpu.memory_space<vmem>> -> memref<1x200xi32, #tpu.memory_space<vmem>>
    %dma_start3A_74 = tpu.memref_squeeze %dma_start3A_73 : memref<1x200xi32, #tpu.memory_space<vmem>> -> memref<200xi32, #tpu.memory_space<vmem>>
    %dma_start3A_75 = tpu.memref_slice %arg2[%multiple_of3A_63] : memref<3276800xi32, #tpu.memory_space<hbm>> -> memref<200xi32, #tpu.memory_space<hbm>>
    tpu.enqueue_dma source(%dma_start3A_75 : memref<200xi32, #tpu.memory_space<hbm>>) target(%dma_start3A_74 : memref<200xi32, #tpu.memory_space<vmem>>) target_semaphore(%dma_start3A_71 : memref<!tpu.dma_semaphore, #tpu.memory_space<semaphore_mem>>)
    %add3A_76 = arith.constant 1000 : i32
    %add3A_77 = arith.addi %mul3A_2, %add3A_76 : i32
    %multiple_of3A_78 = tpu.assume_multiple %add3A_77, 8 : i32
    %dma_start3A_79 = arith.constant 5 : i32
    %dma_start3A_80 = arith.constant 5 : i32
    %dma_start3A_81 = arith.constant 0 : i32
    %dma_start3A_82 = tpu.memref_slice %arg5[%dma_start3A_79, %dma_start3A_81] : memref<8x200xi32, #tpu.memory_space<vmem>> -> memref<1x200xi32, #tpu.memory_space<vmem>>
    %dma_start3A_83 = tpu.memref_squeeze %dma_start3A_82 : memref<1x200xi32, #tpu.memory_space<vmem>> -> memref<200xi32, #tpu.memory_space<vmem>>
    %dma_start3A_84 = tpu.memref_slice %arg2[%multiple_of3A_78] : memref<3276800xi32, #tpu.memory_space<hbm>> -> memref<200xi32, #tpu.memory_space<hbm>>
    %dma_start3A_85 = tpu.memref_slice %arg7[%dma_start3A_80] : memref<8x!tpu.dma_semaphore, #tpu.memory_space<semaphore_mem>> -> memref<1x!tpu.dma_semaphore, #tpu.memory_space<semaphore_mem>>
    %dma_start3A_86 = tpu.memref_squeeze %dma_start3A_85 : memref<1x!tpu.dma_semaphore, #tpu.memory_space<semaphore_mem>> -> memref<!tpu.dma_semaphore, #tpu.memory_space<semaphore_mem>>
    %dma_start3A_87 = arith.constant 0 : i32
    %dma_start3A_88 = tpu.memref_slice %arg5[%dma_start3A_79, %dma_start3A_87] : memref<8x200xi32, #tpu.memory_space<vmem>> -> memref<1x200xi32, #tpu.memory_space<vmem>>
    %dma_start3A_89 = tpu.memref_squeeze %dma_start3A_88 : memref<1x200xi32, #tpu.memory_space<vmem>> -> memref<200xi32, #tpu.memory_space<vmem>>
    %dma_start3A_90 = tpu.memref_slice %arg2[%multiple_of3A_78] : memref<3276800xi32, #tpu.memory_space<hbm>> -> memref<200xi32, #tpu.memory_space<hbm>>
    tpu.enqueue_dma source(%dma_start3A_90 : memref<200xi32, #tpu.memory_space<hbm>>) target(%dma_start3A_89 : memref<200xi32, #tpu.memory_space<vmem>>) target_semaphore(%dma_start3A_86 : memref<!tpu.dma_semaphore, #tpu.memory_space<semaphore_mem>>)
    %add3A_91 = arith.constant 1200 : i32
    %add3A_92 = arith.addi %mul3A_2, %add3A_91 : i32
    %multiple_of3A_93 = tpu.assume_multiple %add3A_92, 8 : i32
    %dma_start3A_94 = arith.constant 6 : i32
    %dma_start3A_95 = arith.constant 6 : i32
    %dma_start3A_96 = arith.constant 0 : i32
    %dma_start3A_97 = tpu.memref_slice %arg5[%dma_start3A_94, %dma_start3A_96] : memref<8x200xi32, #tpu.memory_space<vmem>> -> memref<1x200xi32, #tpu.memory_space<vmem>>
    %dma_start3A_98 = tpu.memref_squeeze %dma_start3A_97 : memref<1x200xi32, #tpu.memory_space<vmem>> -> memref<200xi32, #tpu.memory_space<vmem>>
    %dma_start3A_99 = tpu.memref_slice %arg2[%multiple_of3A_93] : memref<3276800xi32, #tpu.memory_space<hbm>> -> memref<200xi32, #tpu.memory_space<hbm>>
    %dma_start3A_100 = tpu.memref_slice %arg7[%dma_start3A_95] : memref<8x!tpu.dma_semaphore, #tpu.memory_space<semaphore_mem>> -> memref<1x!tpu.dma_semaphore, #tpu.memory_space<semaphore_mem>>
    %dma_start3A_101 = tpu.memref_squeeze %dma_start3A_100 : memref<1x!tpu.dma_semaphore, #tpu.memory_space<semaphore_mem>> -> memref<!tpu.dma_semaphore, #tpu.memory_space<semaphore_mem>>
    %dma_start3A_102 = arith.constant 0 : i32
    %dma_start3A_103 = tpu.memref_slice %arg5[%dma_start3A_94, %dma_start3A_102] : memref<8x200xi32, #tpu.memory_space<vmem>> -> memref<1x200xi32, #tpu.memory_space<vmem>>
    %dma_start3A_104 = tpu.memref_squeeze %dma_start3A_103 : memref<1x200xi32, #tpu.memory_space<vmem>> -> memref<200xi32, #tpu.memory_space<vmem>>
    %dma_start3A_105 = tpu.memref_slice %arg2[%multiple_of3A_93] : memref<3276800xi32, #tpu.memory_space<hbm>> -> memref<200xi32, #tpu.memory_space<hbm>>
    tpu.enqueue_dma source(%dma_start3A_105 : memref<200xi32, #tpu.memory_space<hbm>>) target(%dma_start3A_104 : memref<200xi32, #tpu.memory_space<vmem>>) target_semaphore(%dma_start3A_101 : memref<!tpu.dma_semaphore, #tpu.memory_space<semaphore_mem>>)
    %add3A_106 = arith.constant 1400 : i32
    %add3A_107 = arith.addi %mul3A_2, %add3A_106 : i32
    %multiple_of3A_108 = tpu.assume_multiple %add3A_107, 8 : i32
    %dma_start3A_109 = arith.constant 7 : i32
    %dma_start3A_110 = arith.constant 7 : i32
    %dma_start3A_111 = arith.constant 0 : i32
    %dma_start3A_112 = tpu.memref_slice %arg5[%dma_start3A_109, %dma_start3A_111] : memref<8x200xi32, #tpu.memory_space<vmem>> -> memref<1x200xi32, #tpu.memory_space<vmem>>
    %dma_start3A_113 = tpu.memref_squeeze %dma_start3A_112 : memref<1x200xi32, #tpu.memory_space<vmem>> -> memref<200xi32, #tpu.memory_space<vmem>>
    %dma_start3A_114 = tpu.memref_slice %arg2[%multiple_of3A_108] : memref<3276800xi32, #tpu.memory_space<hbm>> -> memref<200xi32, #tpu.memory_space<hbm>>
    %dma_start3A_115 = tpu.memref_slice %arg7[%dma_start3A_110] : memref<8x!tpu.dma_semaphore, #tpu.memory_space<semaphore_mem>> -> memref<1x!tpu.dma_semaphore, #tpu.memory_space<semaphore_mem>>
    %dma_start3A_116 = tpu.memref_squeeze %dma_start3A_115 : memref<1x!tpu.dma_semaphore, #tpu.memory_space<semaphore_mem>> -> memref<!tpu.dma_semaphore, #tpu.memory_space<semaphore_mem>>
    %dma_start3A_117 = arith.constant 0 : i32
    %dma_start3A_118 = tpu.memref_slice %arg5[%dma_start3A_109, %dma_start3A_117] : memref<8x200xi32, #tpu.memory_space<vmem>> -> memref<1x200xi32, #tpu.memory_space<vmem>>
    %dma_start3A_119 = tpu.memref_squeeze %dma_start3A_118 : memref<1x200xi32, #tpu.memory_space<vmem>> -> memref<200xi32, #tpu.memory_space<vmem>>
    %dma_start3A_120 = tpu.memref_slice %arg2[%multiple_of3A_108] : memref<3276800xi32, #tpu.memory_space<hbm>> -> memref<200xi32, #tpu.memory_space<hbm>>
    tpu.enqueue_dma source(%dma_start3A_120 : memref<200xi32, #tpu.memory_space<hbm>>) target(%dma_start3A_119 : memref<200xi32, #tpu.memory_space<vmem>>) target_semaphore(%dma_start3A_116 : memref<!tpu.dma_semaphore, #tpu.memory_space<semaphore_mem>>)
    %scan3A = arith.constant 0 : i32
    %scan3A_121 = arith.constant 64 : i32
    %scan3A_122 = arith.addi %scan3A, %scan3A_121 : i32
    %scan3A_123 = arith.constant 1 : i32
    scf.for %scan3A_268 = %scan3A to %scan3A_122 step %scan3A_123  : i32 {
      %mul3A_269 = arith.constant 8 : i32
      %mul3A_270 = arith.muli %mul3A_269, %scan3A_268 : i32
      %gt3A = arith.constant 0 : i32
      %gt3A_271 = arith.cmpi sgt, %scan3A_268, %gt3A : i32
      %convert_element_type3A = arith.extui %gt3A_271 : i1 to i32
      %cond3A = arith.constant 0 : i32
      %cond3A_272 = arith.cmpi ne, %convert_element_type3A, %cond3A : i32
      scf.if %cond3A_272 {
        %dma_wait3A_875 = arith.constant 0 : i32
        %dma_wait3A_876 = arith.constant 0 : i32
        %dma_wait3A_877 = arith.constant 0 : i32
        %dma_wait3A_878 = arith.constant 0 : i32
        %dma_wait3A_879 = tpu.memref_slice %arg6[%dma_wait3A_875, %dma_wait3A_877, %dma_wait3A_878] : memref<8x200x64xf32, #tpu.memory_space<vmem>> -> memref<1x200x64xf32, #tpu.memory_space<vmem>>
        %dma_wait3A_880 = tpu.memref_squeeze %dma_wait3A_879 : memref<1x200x64xf32, #tpu.memory_space<vmem>> -> memref<200x64xf32, #tpu.memory_space<vmem>>
        %dma_wait3A_881 = arith.constant 0 : i32
        %dma_wait3A_882 = arith.constant 0 : i32
        %dma_wait3A_883 = tpu.memref_slice %arg4[%dma_wait3A_881, %dma_wait3A_882] : memref<3276800x64xf32, #tpu.memory_space<hbm>> -> memref<200x64xf32, #tpu.memory_space<hbm>>
        %dma_wait3A_884 = tpu.memref_slice %arg9[%dma_wait3A_876] : memref<8x!tpu.dma_semaphore, #tpu.memory_space<semaphore_mem>> -> memref<1x!tpu.dma_semaphore, #tpu.memory_space<semaphore_mem>>
        %dma_wait3A_885 = tpu.memref_squeeze %dma_wait3A_884 : memref<1x!tpu.dma_semaphore, #tpu.memory_space<semaphore_mem>> -> memref<!tpu.dma_semaphore, #tpu.memory_space<semaphore_mem>>
        %dma_wait3A_886 = arith.constant 0 : i32
        %dma_wait3A_887 = arith.constant 0 : i32
        %dma_wait3A_888 = tpu.memref_slice %arg4[%dma_wait3A_886, %dma_wait3A_887] : memref<3276800x64xf32, #tpu.memory_space<hbm>> -> memref<200x64xf32, #tpu.memory_space<hbm>>
        %dma_wait3A_889 = arith.constant 0 : i32
        %dma_wait3A_890 = arith.constant 0 : i32
        %dma_wait3A_891 = tpu.memref_slice %arg6[%dma_wait3A_875, %dma_wait3A_889, %dma_wait3A_890] : memref<8x200x64xf32, #tpu.memory_space<vmem>> -> memref<1x200x64xf32, #tpu.memory_space<vmem>>
        %dma_wait3A_892 = tpu.memref_squeeze %dma_wait3A_891 : memref<1x200x64xf32, #tpu.memory_space<vmem>> -> memref<200x64xf32, #tpu.memory_space<vmem>>
        tpu.wait_dma2 semaphore(%dma_wait3A_885 : memref<!tpu.dma_semaphore, #tpu.memory_space<semaphore_mem>>) src(%dma_wait3A_892 : memref<200x64xf32, #tpu.memory_space<vmem>>) dst(%dma_wait3A_888 : memref<200x64xf32, #tpu.memory_space<hbm>>)
      } else {
      }
      %add3A_273 = arith.constant 0 : i32
      %add3A_274 = arith.addi %mul3A_2, %add3A_273 : i32
      %multiple_of3A_275 = tpu.assume_multiple %add3A_274, 8 : i32
      %dma_wait3A_276 = arith.constant 0 : i32
      %dma_wait3A_277 = arith.constant 0 : i32
      %dma_wait3A_278 = arith.constant 0 : i32
      %dma_wait3A_279 = tpu.memref_slice %arg5[%dma_wait3A_276, %dma_wait3A_278] : memref<8x200xi32, #tpu.memory_space<vmem>> -> memref<1x200xi32, #tpu.memory_space<vmem>>
      %dma_wait3A_280 = tpu.memref_squeeze %dma_wait3A_279 : memref<1x200xi32, #tpu.memory_space<vmem>> -> memref<200xi32, #tpu.memory_space<vmem>>
      %dma_wait3A_281 = tpu.memref_slice %arg2[%multiple_of3A_275] : memref<3276800xi32, #tpu.memory_space<hbm>> -> memref<200xi32, #tpu.memory_space<hbm>>
      %dma_wait3A_282 = tpu.memref_slice %arg7[%dma_wait3A_277] : memref<8x!tpu.dma_semaphore, #tpu.memory_space<semaphore_mem>> -> memref<1x!tpu.dma_semaphore, #tpu.memory_space<semaphore_mem>>
      %dma_wait3A_283 = tpu.memref_squeeze %dma_wait3A_282 : memref<1x!tpu.dma_semaphore, #tpu.memory_space<semaphore_mem>> -> memref<!tpu.dma_semaphore, #tpu.memory_space<semaphore_mem>>
      %dma_wait3A_284 = arith.constant 0 : i32
      %dma_wait3A_285 = tpu.memref_slice %arg5[%dma_wait3A_276, %dma_wait3A_284] : memref<8x200xi32, #tpu.memory_space<vmem>> -> memref<1x200xi32, #tpu.memory_space<vmem>>
      %dma_wait3A_286 = tpu.memref_squeeze %dma_wait3A_285 : memref<1x200xi32, #tpu.memory_space<vmem>> -> memref<200xi32, #tpu.memory_space<vmem>>
      %dma_wait3A_287 = tpu.memref_slice %arg2[%multiple_of3A_275] : memref<3276800xi32, #tpu.memory_space<hbm>> -> memref<200xi32, #tpu.memory_space<hbm>>
      tpu.wait_dma2 semaphore(%dma_wait3A_283 : memref<!tpu.dma_semaphore, #tpu.memory_space<semaphore_mem>>) src(%dma_wait3A_287 : memref<200xi32, #tpu.memory_space<hbm>>) dst(%dma_wait3A_286 : memref<200xi32, #tpu.memory_space<vmem>>)
      %dma_start3A_288 = arith.constant 0 : i32
      %dma_start3A_289 = arith.constant 0 : i32
      %dma_start3A_290 = arith.constant 0 : i32
      %dma_start3A_291 = arith.constant 0 : i32
      %dma_start3A_292 = arith.constant 0 : i32
      %dma_start3A_293 = tpu.memref_slice %arg6[%dma_start3A_289, %dma_start3A_291, %dma_start3A_292] : memref<8x200x64xf32, #tpu.memory_space<vmem>> -> memref<1x200x64xf32, #tpu.memory_space<vmem>>
      %dma_start3A_294 = tpu.memref_squeeze %dma_start3A_293 : memref<1x200x64xf32, #tpu.memory_space<vmem>> -> memref<200x64xf32, #tpu.memory_space<vmem>>
      %dma_start3A_295 = arith.constant 0 : i32
      %dma_start3A_296 = tpu.memref_slice %arg5[%dma_start3A_288, %dma_start3A_295] : memref<8x200xi32, #tpu.memory_space<vmem>> -> memref<1x200xi32, #tpu.memory_space<vmem>>
      %dma_start3A_297 = tpu.memref_squeeze %dma_start3A_296 : memref<1x200xi32, #tpu.memory_space<vmem>> -> memref<200xi32, #tpu.memory_space<vmem>>
      %dma_start3A_298 = arith.constant 0 : i32
      %dma_start3A_299 = arith.constant 0 : i32
      %dma_start3A_300 = tpu.memref_slice %arg3[%dma_start3A_298, %dma_start3A_299] : memref<100000x64xf32, #tpu.memory_space<hbm>> -> memref<100000x64xf32, #tpu.memory_space<hbm>>
      %dma_start3A_301 = tpu.memref_slice %arg8[%dma_start3A_290] : memref<8x!tpu.dma_semaphore, #tpu.memory_space<semaphore_mem>> -> memref<1x!tpu.dma_semaphore, #tpu.memory_space<semaphore_mem>>
      %dma_start3A_302 = tpu.memref_squeeze %dma_start3A_301 : memref<1x!tpu.dma_semaphore, #tpu.memory_space<semaphore_mem>> -> memref<!tpu.dma_semaphore, #tpu.memory_space<semaphore_mem>>
      tpu.enqueue_indirect_dma source(%dma_start3A_300 : memref<100000x64xf32, #tpu.memory_space<hbm>>) target(%dma_start3A_294 : memref<200x64xf32, #tpu.memory_space<vmem>>) offsets(%dma_start3A_297 : memref<200xi32, #tpu.memory_space<vmem>>) semaphore(%dma_start3A_302 : memref<!tpu.dma_semaphore, #tpu.memory_space<semaphore_mem>>)
      %gt3A_303 = arith.constant 0 : i32
      %gt3A_304 = arith.cmpi sgt, %scan3A_268, %gt3A_303 : i32
      %convert_element_type3A_305 = arith.extui %gt3A_304 : i1 to i32
      %cond3A_306 = arith.constant 0 : i32
      %cond3A_307 = arith.cmpi ne, %convert_element_type3A_305, %cond3A_306 : i32
      scf.if %cond3A_307 {
        %dma_wait3A_875 = arith.constant 1 : i32
        %dma_wait3A_876 = arith.constant 1 : i32
        %dma_wait3A_877 = arith.constant 0 : i32
        %dma_wait3A_878 = arith.constant 0 : i32
        %dma_wait3A_879 = tpu.memref_slice %arg6[%dma_wait3A_875, %dma_wait3A_877, %dma_wait3A_878] : memref<8x200x64xf32, #tpu.memory_space<vmem>> -> memref<1x200x64xf32, #tpu.memory_space<vmem>>
        %dma_wait3A_880 = tpu.memref_squeeze %dma_wait3A_879 : memref<1x200x64xf32, #tpu.memory_space<vmem>> -> memref<200x64xf32, #tpu.memory_space<vmem>>
        %dma_wait3A_881 = arith.constant 0 : i32
        %dma_wait3A_882 = arith.constant 0 : i32
        %dma_wait3A_883 = tpu.memref_slice %arg4[%dma_wait3A_881, %dma_wait3A_882] : memref<3276800x64xf32, #tpu.memory_space<hbm>> -> memref<200x64xf32, #tpu.memory_space<hbm>>
        %dma_wait3A_884 = tpu.memref_slice %arg9[%dma_wait3A_876] : memref<8x!tpu.dma_semaphore, #tpu.memory_space<semaphore_mem>> -> memref<1x!tpu.dma_semaphore, #tpu.memory_space<semaphore_mem>>
        %dma_wait3A_885 = tpu.memref_squeeze %dma_wait3A_884 : memref<1x!tpu.dma_semaphore, #tpu.memory_space<semaphore_mem>> -> memref<!tpu.dma_semaphore, #tpu.memory_space<semaphore_mem>>
        %dma_wait3A_886 = arith.constant 0 : i32
        %dma_wait3A_887 = arith.constant 0 : i32
        %dma_wait3A_888 = tpu.memref_slice %arg4[%dma_wait3A_886, %dma_wait3A_887] : memref<3276800x64xf32, #tpu.memory_space<hbm>> -> memref<200x64xf32, #tpu.memory_space<hbm>>
        %dma_wait3A_889 = arith.constant 0 : i32
        %dma_wait3A_890 = arith.constant 0 : i32
        %dma_wait3A_891 = tpu.memref_slice %arg6[%dma_wait3A_875, %dma_wait3A_889, %dma_wait3A_890] : memref<8x200x64xf32, #tpu.memory_space<vmem>> -> memref<1x200x64xf32, #tpu.memory_space<vmem>>
        %dma_wait3A_892 = tpu.memref_squeeze %dma_wait3A_891 : memref<1x200x64xf32, #tpu.memory_space<vmem>> -> memref<200x64xf32, #tpu.memory_space<vmem>>
        tpu.wait_dma2 semaphore(%dma_wait3A_885 : memref<!tpu.dma_semaphore, #tpu.memory_space<semaphore_mem>>) src(%dma_wait3A_892 : memref<200x64xf32, #tpu.memory_space<vmem>>) dst(%dma_wait3A_888 : memref<200x64xf32, #tpu.memory_space<hbm>>)
      } else {
      }
      %add3A_308 = arith.constant 0 : i32
      %add3A_309 = arith.addi %mul3A_2, %add3A_308 : i32
      %multiple_of3A_310 = tpu.assume_multiple %add3A_309, 8 : i32
      %dma_wait3A_311 = arith.constant 1 : i32
      %dma_wait3A_312 = arith.constant 1 : i32
      %dma_wait3A_313 = arith.constant 0 : i32
      %dma_wait3A_314 = tpu.memref_slice %arg5[%dma_wait3A_311, %dma_wait3A_313] : memref<8x200xi32, #tpu.memory_space<vmem>> -> memref<1x200xi32, #tpu.memory_space<vmem>>
      %dma_wait3A_315 = tpu.memref_squeeze %dma_wait3A_314 : memref<1x200xi32, #tpu.memory_space<vmem>> -> memref<200xi32, #tpu.memory_space<vmem>>
      %dma_wait3A_316 = tpu.memref_slice %arg2[%multiple_of3A_310] : memref<3276800xi32, #tpu.memory_space<hbm>> -> memref<200xi32, #tpu.memory_space<hbm>>
      %dma_wait3A_317 = tpu.memref_slice %arg7[%dma_wait3A_312] : memref<8x!tpu.dma_semaphore, #tpu.memory_space<semaphore_mem>> -> memref<1x!tpu.dma_semaphore, #tpu.memory_space<semaphore_mem>>
      %dma_wait3A_318 = tpu.memref_squeeze %dma_wait3A_317 : memref<1x!tpu.dma_semaphore, #tpu.memory_space<semaphore_mem>> -> memref<!tpu.dma_semaphore, #tpu.memory_space<semaphore_mem>>
      %dma_wait3A_319 = arith.constant 0 : i32
      %dma_wait3A_320 = tpu.memref_slice %arg5[%dma_wait3A_311, %dma_wait3A_319] : memref<8x200xi32, #tpu.memory_space<vmem>> -> memref<1x200xi32, #tpu.memory_space<vmem>>
      %dma_wait3A_321 = tpu.memref_squeeze %dma_wait3A_320 : memref<1x200xi32, #tpu.memory_space<vmem>> -> memref<200xi32, #tpu.memory_space<vmem>>
      %dma_wait3A_322 = tpu.memref_slice %arg2[%multiple_of3A_310] : memref<3276800xi32, #tpu.memory_space<hbm>> -> memref<200xi32, #tpu.memory_space<hbm>>
      tpu.wait_dma2 semaphore(%dma_wait3A_318 : memref<!tpu.dma_semaphore, #tpu.memory_space<semaphore_mem>>) src(%dma_wait3A_322 : memref<200xi32, #tpu.memory_space<hbm>>) dst(%dma_wait3A_321 : memref<200xi32, #tpu.memory_space<vmem>>)
      %dma_start3A_323 = arith.constant 1 : i32
      %dma_start3A_324 = arith.constant 1 : i32
      %dma_start3A_325 = arith.constant 1 : i32
      %dma_start3A_326 = arith.constant 0 : i32
      %dma_start3A_327 = arith.constant 0 : i32
      %dma_start3A_328 = tpu.memref_slice %arg6[%dma_start3A_324, %dma_start3A_326, %dma_start3A_327] : memref<8x200x64xf32, #tpu.memory_space<vmem>> -> memref<1x200x64xf32, #tpu.memory_space<vmem>>
      %dma_start3A_329 = tpu.memref_squeeze %dma_start3A_328 : memref<1x200x64xf32, #tpu.memory_space<vmem>> -> memref<200x64xf32, #tpu.memory_space<vmem>>
      %dma_start3A_330 = arith.constant 0 : i32
      %dma_start3A_331 = tpu.memref_slice %arg5[%dma_start3A_323, %dma_start3A_330] : memref<8x200xi32, #tpu.memory_space<vmem>> -> memref<1x200xi32, #tpu.memory_space<vmem>>
      %dma_start3A_332 = tpu.memref_squeeze %dma_start3A_331 : memref<1x200xi32, #tpu.memory_space<vmem>> -> memref<200xi32, #tpu.memory_space<vmem>>
      %dma_start3A_333 = arith.constant 0 : i32
      %dma_start3A_334 = arith.constant 0 : i32
      %dma_start3A_335 = tpu.memref_slice %arg3[%dma_start3A_333, %dma_start3A_334] : memref<100000x64xf32, #tpu.memory_space<hbm>> -> memref<100000x64xf32, #tpu.memory_space<hbm>>
      %dma_start3A_336 = tpu.memref_slice %arg8[%dma_start3A_325] : memref<8x!tpu.dma_semaphore, #tpu.memory_space<semaphore_mem>> -> memref<1x!tpu.dma_semaphore, #tpu.memory_space<semaphore_mem>>
      %dma_start3A_337 = tpu.memref_squeeze %dma_start3A_336 : memref<1x!tpu.dma_semaphore, #tpu.memory_space<semaphore_mem>> -> memref<!tpu.dma_semaphore, #tpu.memory_space<semaphore_mem>>
      tpu.enqueue_indirect_dma source(%dma_start3A_335 : memref<100000x64xf32, #tpu.memory_space<hbm>>) target(%dma_start3A_329 : memref<200x64xf32, #tpu.memory_space<vmem>>) offsets(%dma_start3A_332 : memref<200xi32, #tpu.memory_space<vmem>>) semaphore(%dma_start3A_337 : memref<!tpu.dma_semaphore, #tpu.memory_space<semaphore_mem>>)
      %gt3A_338 = arith.constant 0 : i32
      %gt3A_339 = arith.cmpi sgt, %scan3A_268, %gt3A_338 : i32
      %convert_element_type3A_340 = arith.extui %gt3A_339 : i1 to i32
      %cond3A_341 = arith.constant 0 : i32
      %cond3A_342 = arith.cmpi ne, %convert_element_type3A_340, %cond3A_341 : i32
      scf.if %cond3A_342 {
        %dma_wait3A_875 = arith.constant 2 : i32
        %dma_wait3A_876 = arith.constant 2 : i32
        %dma_wait3A_877 = arith.constant 0 : i32
        %dma_wait3A_878 = arith.constant 0 : i32
        %dma_wait3A_879 = tpu.memref_slice %arg6[%dma_wait3A_875, %dma_wait3A_877, %dma_wait3A_878] : memref<8x200x64xf32, #tpu.memory_space<vmem>> -> memref<1x200x64xf32, #tpu.memory_space<vmem>>
        %dma_wait3A_880 = tpu.memref_squeeze %dma_wait3A_879 : memref<1x200x64xf32, #tpu.memory_space<vmem>> -> memref<200x64xf32, #tpu.memory_space<vmem>>
        %dma_wait3A_881 = arith.constant 0 : i32
        %dma_wait3A_882 = arith.constant 0 : i32
        %dma_wait3A_883 = tpu.memref_slice %arg4[%dma_wait3A_881, %dma_wait3A_882] : memref<3276800x64xf32, #tpu.memory_space<hbm>> -> memref<200x64xf32, #tpu.memory_space<hbm>>
        %dma_wait3A_884 = tpu.memref_slice %arg9[%dma_wait3A_876] : memref<8x!tpu.dma_semaphore, #tpu.memory_space<semaphore_mem>> -> memref<1x!tpu.dma_semaphore, #tpu.memory_space<semaphore_mem>>
        %dma_wait3A_885 = tpu.memref_squeeze %dma_wait3A_884 : memref<1x!tpu.dma_semaphore, #tpu.memory_space<semaphore_mem>> -> memref<!tpu.dma_semaphore, #tpu.memory_space<semaphore_mem>>
        %dma_wait3A_886 = arith.constant 0 : i32
        %dma_wait3A_887 = arith.constant 0 : i32
        %dma_wait3A_888 = tpu.memref_slice %arg4[%dma_wait3A_886, %dma_wait3A_887] : memref<3276800x64xf32, #tpu.memory_space<hbm>> -> memref<200x64xf32, #tpu.memory_space<hbm>>
        %dma_wait3A_889 = arith.constant 0 : i32
        %dma_wait3A_890 = arith.constant 0 : i32
        %dma_wait3A_891 = tpu.memref_slice %arg6[%dma_wait3A_875, %dma_wait3A_889, %dma_wait3A_890] : memref<8x200x64xf32, #tpu.memory_space<vmem>> -> memref<1x200x64xf32, #tpu.memory_space<vmem>>
        %dma_wait3A_892 = tpu.memref_squeeze %dma_wait3A_891 : memref<1x200x64xf32, #tpu.memory_space<vmem>> -> memref<200x64xf32, #tpu.memory_space<vmem>>
        tpu.wait_dma2 semaphore(%dma_wait3A_885 : memref<!tpu.dma_semaphore, #tpu.memory_space<semaphore_mem>>) src(%dma_wait3A_892 : memref<200x64xf32, #tpu.memory_space<vmem>>) dst(%dma_wait3A_888 : memref<200x64xf32, #tpu.memory_space<hbm>>)
      } else {
      }
      %add3A_343 = arith.constant 0 : i32
      %add3A_344 = arith.addi %mul3A_2, %add3A_343 : i32
      %multiple_of3A_345 = tpu.assume_multiple %add3A_344, 8 : i32
      %dma_wait3A_346 = arith.constant 2 : i32
      %dma_wait3A_347 = arith.constant 2 : i32
      %dma_wait3A_348 = arith.constant 0 : i32
      %dma_wait3A_349 = tpu.memref_slice %arg5[%dma_wait3A_346, %dma_wait3A_348] : memref<8x200xi32, #tpu.memory_space<vmem>> -> memref<1x200xi32, #tpu.memory_space<vmem>>
      %dma_wait3A_350 = tpu.memref_squeeze %dma_wait3A_349 : memref<1x200xi32, #tpu.memory_space<vmem>> -> memref<200xi32, #tpu.memory_space<vmem>>
      %dma_wait3A_351 = tpu.memref_slice %arg2[%multiple_of3A_345] : memref<3276800xi32, #tpu.memory_space<hbm>> -> memref<200xi32, #tpu.memory_space<hbm>>
      %dma_wait3A_352 = tpu.memref_slice %arg7[%dma_wait3A_347] : memref<8x!tpu.dma_semaphore, #tpu.memory_space<semaphore_mem>> -> memref<1x!tpu.dma_semaphore, #tpu.memory_space<semaphore_mem>>
      %dma_wait3A_353 = tpu.memref_squeeze %dma_wait3A_352 : memref<1x!tpu.dma_semaphore, #tpu.memory_space<semaphore_mem>> -> memref<!tpu.dma_semaphore, #tpu.memory_space<semaphore_mem>>
      %dma_wait3A_354 = arith.constant 0 : i32
      %dma_wait3A_355 = tpu.memref_slice %arg5[%dma_wait3A_346, %dma_wait3A_354] : memref<8x200xi32, #tpu.memory_space<vmem>> -> memref<1x200xi32, #tpu.memory_space<vmem>>
      %dma_wait3A_356 = tpu.memref_squeeze %dma_wait3A_355 : memref<1x200xi32, #tpu.memory_space<vmem>> -> memref<200xi32, #tpu.memory_space<vmem>>
      %dma_wait3A_357 = tpu.memref_slice %arg2[%multiple_of3A_345] : memref<3276800xi32, #tpu.memory_space<hbm>> -> memref<200xi32, #tpu.memory_space<hbm>>
      tpu.wait_dma2 semaphore(%dma_wait3A_353 : memref<!tpu.dma_semaphore, #tpu.memory_space<semaphore_mem>>) src(%dma_wait3A_357 : memref<200xi32, #tpu.memory_space<hbm>>) dst(%dma_wait3A_356 : memref<200xi32, #tpu.memory_space<vmem>>)
      %dma_start3A_358 = arith.constant 2 : i32
      %dma_start3A_359 = arith.constant 2 : i32
      %dma_start3A_360 = arith.constant 2 : i32
      %dma_start3A_361 = arith.constant 0 : i32
      %dma_start3A_362 = arith.constant 0 : i32
      %dma_start3A_363 = tpu.memref_slice %arg6[%dma_start3A_359, %dma_start3A_361, %dma_start3A_362] : memref<8x200x64xf32, #tpu.memory_space<vmem>> -> memref<1x200x64xf32, #tpu.memory_space<vmem>>
      %dma_start3A_364 = tpu.memref_squeeze %dma_start3A_363 : memref<1x200x64xf32, #tpu.memory_space<vmem>> -> memref<200x64xf32, #tpu.memory_space<vmem>>
      %dma_start3A_365 = arith.constant 0 : i32
      %dma_start3A_366 = tpu.memref_slice %arg5[%dma_start3A_358, %dma_start3A_365] : memref<8x200xi32, #tpu.memory_space<vmem>> -> memref<1x200xi32, #tpu.memory_space<vmem>>
      %dma_start3A_367 = tpu.memref_squeeze %dma_start3A_366 : memref<1x200xi32, #tpu.memory_space<vmem>> -> memref<200xi32, #tpu.memory_space<vmem>>
      %dma_start3A_368 = arith.constant 0 : i32
      %dma_start3A_369 = arith.constant 0 : i32
      %dma_start3A_370 = tpu.memref_slice %arg3[%dma_start3A_368, %dma_start3A_369] : memref<100000x64xf32, #tpu.memory_space<hbm>> -> memref<100000x64xf32, #tpu.memory_space<hbm>>
      %dma_start3A_371 = tpu.memref_slice %arg8[%dma_start3A_360] : memref<8x!tpu.dma_semaphore, #tpu.memory_space<semaphore_mem>> -> memref<1x!tpu.dma_semaphore, #tpu.memory_space<semaphore_mem>>
      %dma_start3A_372 = tpu.memref_squeeze %dma_start3A_371 : memref<1x!tpu.dma_semaphore, #tpu.memory_space<semaphore_mem>> -> memref<!tpu.dma_semaphore, #tpu.memory_space<semaphore_mem>>
      tpu.enqueue_indirect_dma source(%dma_start3A_370 : memref<100000x64xf32, #tpu.memory_space<hbm>>) target(%dma_start3A_364 : memref<200x64xf32, #tpu.memory_space<vmem>>) offsets(%dma_start3A_367 : memref<200xi32, #tpu.memory_space<vmem>>) semaphore(%dma_start3A_372 : memref<!tpu.dma_semaphore, #tpu.memory_space<semaphore_mem>>)
      %gt3A_373 = arith.constant 0 : i32
      %gt3A_374 = arith.cmpi sgt, %scan3A_268, %gt3A_373 : i32
      %convert_element_type3A_375 = arith.extui %gt3A_374 : i1 to i32
      %cond3A_376 = arith.constant 0 : i32
      %cond3A_377 = arith.cmpi ne, %convert_element_type3A_375, %cond3A_376 : i32
      scf.if %cond3A_377 {
        %dma_wait3A_875 = arith.constant 3 : i32
        %dma_wait3A_876 = arith.constant 3 : i32
        %dma_wait3A_877 = arith.constant 0 : i32
        %dma_wait3A_878 = arith.constant 0 : i32
        %dma_wait3A_879 = tpu.memref_slice %arg6[%dma_wait3A_875, %dma_wait3A_877, %dma_wait3A_878] : memref<8x200x64xf32, #tpu.memory_space<vmem>> -> memref<1x200x64xf32, #tpu.memory_space<vmem>>
        %dma_wait3A_880 = tpu.memref_squeeze %dma_wait3A_879 : memref<1x200x64xf32, #tpu.memory_space<vmem>> -> memref<200x64xf32, #tpu.memory_space<vmem>>
        %dma_wait3A_881 = arith.constant 0 : i32
        %dma_wait3A_882 = arith.constant 0 : i32
        %dma_wait3A_883 = tpu.memref_slice %arg4[%dma_wait3A_881, %dma_wait3A_882] : memref<3276800x64xf32, #tpu.memory_space<hbm>> -> memref<200x64xf32, #tpu.memory_space<hbm>>
        %dma_wait3A_884 = tpu.memref_slice %arg9[%dma_wait3A_876] : memref<8x!tpu.dma_semaphore, #tpu.memory_space<semaphore_mem>> -> memref<1x!tpu.dma_semaphore, #tpu.memory_space<semaphore_mem>>
        %dma_wait3A_885 = tpu.memref_squeeze %dma_wait3A_884 : memref<1x!tpu.dma_semaphore, #tpu.memory_space<semaphore_mem>> -> memref<!tpu.dma_semaphore, #tpu.memory_space<semaphore_mem>>
        %dma_wait3A_886 = arith.constant 0 : i32
        %dma_wait3A_887 = arith.constant 0 : i32
        %dma_wait3A_888 = tpu.memref_slice %arg4[%dma_wait3A_886, %dma_wait3A_887] : memref<3276800x64xf32, #tpu.memory_space<hbm>> -> memref<200x64xf32, #tpu.memory_space<hbm>>
        %dma_wait3A_889 = arith.constant 0 : i32
        %dma_wait3A_890 = arith.constant 0 : i32
        %dma_wait3A_891 = tpu.memref_slice %arg6[%dma_wait3A_875, %dma_wait3A_889, %dma_wait3A_890] : memref<8x200x64xf32, #tpu.memory_space<vmem>> -> memref<1x200x64xf32, #tpu.memory_space<vmem>>
        %dma_wait3A_892 = tpu.memref_squeeze %dma_wait3A_891 : memref<1x200x64xf32, #tpu.memory_space<vmem>> -> memref<200x64xf32, #tpu.memory_space<vmem>>
        tpu.wait_dma2 semaphore(%dma_wait3A_885 : memref<!tpu.dma_semaphore, #tpu.memory_space<semaphore_mem>>) src(%dma_wait3A_892 : memref<200x64xf32, #tpu.memory_space<vmem>>) dst(%dma_wait3A_888 : memref<200x64xf32, #tpu.memory_space<hbm>>)
      } else {
      }
      %add3A_378 = arith.constant 0 : i32
      %add3A_379 = arith.addi %mul3A_2, %add3A_378 : i32
      %multiple_of3A_380 = tpu.assume_multiple %add3A_379, 8 : i32
      %dma_wait3A_381 = arith.constant 3 : i32
      %dma_wait3A_382 = arith.constant 3 : i32
      %dma_wait3A_383 = arith.constant 0 : i32
      %dma_wait3A_384 = tpu.memref_slice %arg5[%dma_wait3A_381, %dma_wait3A_383] : memref<8x200xi32, #tpu.memory_space<vmem>> -> memref<1x200xi32, #tpu.memory_space<vmem>>
      %dma_wait3A_385 = tpu.memref_squeeze %dma_wait3A_384 : memref<1x200xi32, #tpu.memory_space<vmem>> -> memref<200xi32, #tpu.memory_space<vmem>>
      %dma_wait3A_386 = tpu.memref_slice %arg2[%multiple_of3A_380] : memref<3276800xi32, #tpu.memory_space<hbm>> -> memref<200xi32, #tpu.memory_space<hbm>>
      %dma_wait3A_387 = tpu.memref_slice %arg7[%dma_wait3A_382] : memref<8x!tpu.dma_semaphore, #tpu.memory_space<semaphore_mem>> -> memref<1x!tpu.dma_semaphore, #tpu.memory_space<semaphore_mem>>
      %dma_wait3A_388 = tpu.memref_squeeze %dma_wait3A_387 : memref<1x!tpu.dma_semaphore, #tpu.memory_space<semaphore_mem>> -> memref<!tpu.dma_semaphore, #tpu.memory_space<semaphore_mem>>
      %dma_wait3A_389 = arith.constant 0 : i32
      %dma_wait3A_390 = tpu.memref_slice %arg5[%dma_wait3A_381, %dma_wait3A_389] : memref<8x200xi32, #tpu.memory_space<vmem>> -> memref<1x200xi32, #tpu.memory_space<vmem>>
      %dma_wait3A_391 = tpu.memref_squeeze %dma_wait3A_390 : memref<1x200xi32, #tpu.memory_space<vmem>> -> memref<200xi32, #tpu.memory_space<vmem>>
      %dma_wait3A_392 = tpu.memref_slice %arg2[%multiple_of3A_380] : memref<3276800xi32, #tpu.memory_space<hbm>> -> memref<200xi32, #tpu.memory_space<hbm>>
      tpu.wait_dma2 semaphore(%dma_wait3A_388 : memref<!tpu.dma_semaphore, #tpu.memory_space<semaphore_mem>>) src(%dma_wait3A_392 : memref<200xi32, #tpu.memory_space<hbm>>) dst(%dma_wait3A_391 : memref<200xi32, #tpu.memory_space<vmem>>)
      %dma_start3A_393 = arith.constant 3 : i32
      %dma_start3A_394 = arith.constant 3 : i32
      %dma_start3A_395 = arith.constant 3 : i32
      %dma_start3A_396 = arith.constant 0 : i32
      %dma_start3A_397 = arith.constant 0 : i32
      %dma_start3A_398 = tpu.memref_slice %arg6[%dma_start3A_394, %dma_start3A_396, %dma_start3A_397] : memref<8x200x64xf32, #tpu.memory_space<vmem>> -> memref<1x200x64xf32, #tpu.memory_space<vmem>>
      %dma_start3A_399 = tpu.memref_squeeze %dma_start3A_398 : memref<1x200x64xf32, #tpu.memory_space<vmem>> -> memref<200x64xf32, #tpu.memory_space<vmem>>
      %dma_start3A_400 = arith.constant 0 : i32
      %dma_start3A_401 = tpu.memref_slice %arg5[%dma_start3A_393, %dma_start3A_400] : memref<8x200xi32, #tpu.memory_space<vmem>> -> memref<1x200xi32, #tpu.memory_space<vmem>>
      %dma_start3A_402 = tpu.memref_squeeze %dma_start3A_401 : memref<1x200xi32, #tpu.memory_space<vmem>> -> memref<200xi32, #tpu.memory_space<vmem>>
      %dma_start3A_403 = arith.constant 0 : i32
      %dma_start3A_404 = arith.constant 0 : i32
      %dma_start3A_405 = tpu.memref_slice %arg3[%dma_start3A_403, %dma_start3A_404] : memref<100000x64xf32, #tpu.memory_space<hbm>> -> memref<100000x64xf32, #tpu.memory_space<hbm>>
      %dma_start3A_406 = tpu.memref_slice %arg8[%dma_start3A_395] : memref<8x!tpu.dma_semaphore, #tpu.memory_space<semaphore_mem>> -> memref<1x!tpu.dma_semaphore, #tpu.memory_space<semaphore_mem>>
      %dma_start3A_407 = tpu.memref_squeeze %dma_start3A_406 : memref<1x!tpu.dma_semaphore, #tpu.memory_space<semaphore_mem>> -> memref<!tpu.dma_semaphore, #tpu.memory_space<semaphore_mem>>
      tpu.enqueue_indirect_dma source(%dma_start3A_405 : memref<100000x64xf32, #tpu.memory_space<hbm>>) target(%dma_start3A_399 : memref<200x64xf32, #tpu.memory_space<vmem>>) offsets(%dma_start3A_402 : memref<200xi32, #tpu.memory_space<vmem>>) semaphore(%dma_start3A_407 : memref<!tpu.dma_semaphore, #tpu.memory_space<semaphore_mem>>)
      %gt3A_408 = arith.constant 0 : i32
      %gt3A_409 = arith.cmpi sgt, %scan3A_268, %gt3A_408 : i32
      %convert_element_type3A_410 = arith.extui %gt3A_409 : i1 to i32
      %cond3A_411 = arith.constant 0 : i32
      %cond3A_412 = arith.cmpi ne, %convert_element_type3A_410, %cond3A_411 : i32
      scf.if %cond3A_412 {
        %dma_wait3A_875 = arith.constant 4 : i32
        %dma_wait3A_876 = arith.constant 4 : i32
        %dma_wait3A_877 = arith.constant 0 : i32
        %dma_wait3A_878 = arith.constant 0 : i32
        %dma_wait3A_879 = tpu.memref_slice %arg6[%dma_wait3A_875, %dma_wait3A_877, %dma_wait3A_878] : memref<8x200x64xf32, #tpu.memory_space<vmem>> -> memref<1x200x64xf32, #tpu.memory_space<vmem>>
        %dma_wait3A_880 = tpu.memref_squeeze %dma_wait3A_879 : memref<1x200x64xf32, #tpu.memory_space<vmem>> -> memref<200x64xf32, #tpu.memory_space<vmem>>
        %dma_wait3A_881 = arith.constant 0 : i32
        %dma_wait3A_882 = arith.constant 0 : i32
        %dma_wait3A_883 = tpu.memref_slice %arg4[%dma_wait3A_881, %dma_wait3A_882] : memref<3276800x64xf32, #tpu.memory_space<hbm>> -> memref<200x64xf32, #tpu.memory_space<hbm>>
        %dma_wait3A_884 = tpu.memref_slice %arg9[%dma_wait3A_876] : memref<8x!tpu.dma_semaphore, #tpu.memory_space<semaphore_mem>> -> memref<1x!tpu.dma_semaphore, #tpu.memory_space<semaphore_mem>>
        %dma_wait3A_885 = tpu.memref_squeeze %dma_wait3A_884 : memref<1x!tpu.dma_semaphore, #tpu.memory_space<semaphore_mem>> -> memref<!tpu.dma_semaphore, #tpu.memory_space<semaphore_mem>>
        %dma_wait3A_886 = arith.constant 0 : i32
        %dma_wait3A_887 = arith.constant 0 : i32
        %dma_wait3A_888 = tpu.memref_slice %arg4[%dma_wait3A_886, %dma_wait3A_887] : memref<3276800x64xf32, #tpu.memory_space<hbm>> -> memref<200x64xf32, #tpu.memory_space<hbm>>
        %dma_wait3A_889 = arith.constant 0 : i32
        %dma_wait3A_890 = arith.constant 0 : i32
        %dma_wait3A_891 = tpu.memref_slice %arg6[%dma_wait3A_875, %dma_wait3A_889, %dma_wait3A_890] : memref<8x200x64xf32, #tpu.memory_space<vmem>> -> memref<1x200x64xf32, #tpu.memory_space<vmem>>
        %dma_wait3A_892 = tpu.memref_squeeze %dma_wait3A_891 : memref<1x200x64xf32, #tpu.memory_space<vmem>> -> memref<200x64xf32, #tpu.memory_space<vmem>>
        tpu.wait_dma2 semaphore(%dma_wait3A_885 : memref<!tpu.dma_semaphore, #tpu.memory_space<semaphore_mem>>) src(%dma_wait3A_892 : memref<200x64xf32, #tpu.memory_space<vmem>>) dst(%dma_wait3A_888 : memref<200x64xf32, #tpu.memory_space<hbm>>)
      } else {
      }
      %add3A_413 = arith.constant 0 : i32
      %add3A_414 = arith.addi %mul3A_2, %add3A_413 : i32
      %multiple_of3A_415 = tpu.assume_multiple %add3A_414, 8 : i32
      %dma_wait3A_416 = arith.constant 4 : i32
      %dma_wait3A_417 = arith.constant 4 : i32
      %dma_wait3A_418 = arith.constant 0 : i32
      %dma_wait3A_419 = tpu.memref_slice %arg5[%dma_wait3A_416, %dma_wait3A_418] : memref<8x200xi32, #tpu.memory_space<vmem>> -> memref<1x200xi32, #tpu.memory_space<vmem>>
      %dma_wait3A_420 = tpu.memref_squeeze %dma_wait3A_419 : memref<1x200xi32, #tpu.memory_space<vmem>> -> memref<200xi32, #tpu.memory_space<vmem>>
      %dma_wait3A_421 = tpu.memref_slice %arg2[%multiple_of3A_415] : memref<3276800xi32, #tpu.memory_space<hbm>> -> memref<200xi32, #tpu.memory_space<hbm>>
      %dma_wait3A_422 = tpu.memref_slice %arg7[%dma_wait3A_417] : memref<8x!tpu.dma_semaphore, #tpu.memory_space<semaphore_mem>> -> memref<1x!tpu.dma_semaphore, #tpu.memory_space<semaphore_mem>>
      %dma_wait3A_423 = tpu.memref_squeeze %dma_wait3A_422 : memref<1x!tpu.dma_semaphore, #tpu.memory_space<semaphore_mem>> -> memref<!tpu.dma_semaphore, #tpu.memory_space<semaphore_mem>>
      %dma_wait3A_424 = arith.constant 0 : i32
      %dma_wait3A_425 = tpu.memref_slice %arg5[%dma_wait3A_416, %dma_wait3A_424] : memref<8x200xi32, #tpu.memory_space<vmem>> -> memref<1x200xi32, #tpu.memory_space<vmem>>
      %dma_wait3A_426 = tpu.memref_squeeze %dma_wait3A_425 : memref<1x200xi32, #tpu.memory_space<vmem>> -> memref<200xi32, #tpu.memory_space<vmem>>
      %dma_wait3A_427 = tpu.memref_slice %arg2[%multiple_of3A_415] : memref<3276800xi32, #tpu.memory_space<hbm>> -> memref<200xi32, #tpu.memory_space<hbm>>
      tpu.wait_dma2 semaphore(%dma_wait3A_423 : memref<!tpu.dma_semaphore, #tpu.memory_space<semaphore_mem>>) src(%dma_wait3A_427 : memref<200xi32, #tpu.memory_space<hbm>>) dst(%dma_wait3A_426 : memref<200xi32, #tpu.memory_space<vmem>>)
      %dma_start3A_428 = arith.constant 4 : i32
      %dma_start3A_429 = arith.constant 4 : i32
      %dma_start3A_430 = arith.constant 4 : i32
      %dma_start3A_431 = arith.constant 0 : i32
      %dma_start3A_432 = arith.constant 0 : i32
      %dma_start3A_433 = tpu.memref_slice %arg6[%dma_start3A_429, %dma_start3A_431, %dma_start3A_432] : memref<8x200x64xf32, #tpu.memory_space<vmem>> -> memref<1x200x64xf32, #tpu.memory_space<vmem>>
      %dma_start3A_434 = tpu.memref_squeeze %dma_start3A_433 : memref<1x200x64xf32, #tpu.memory_space<vmem>> -> memref<200x64xf32, #tpu.memory_space<vmem>>
      %dma_start3A_435 = arith.constant 0 : i32
      %dma_start3A_436 = tpu.memref_slice %arg5[%dma_start3A_428, %dma_start3A_435] : memref<8x200xi32, #tpu.memory_space<vmem>> -> memref<1x200xi32, #tpu.memory_space<vmem>>
      %dma_start3A_437 = tpu.memref_squeeze %dma_start3A_436 : memref<1x200xi32, #tpu.memory_space<vmem>> -> memref<200xi32, #tpu.memory_space<vmem>>
      %dma_start3A_438 = arith.constant 0 : i32
      %dma_start3A_439 = arith.constant 0 : i32
      %dma_start3A_440 = tpu.memref_slice %arg3[%dma_start3A_438, %dma_start3A_439] : memref<100000x64xf32, #tpu.memory_space<hbm>> -> memref<100000x64xf32, #tpu.memory_space<hbm>>
      %dma_start3A_441 = tpu.memref_slice %arg8[%dma_start3A_430] : memref<8x!tpu.dma_semaphore, #tpu.memory_space<semaphore_mem>> -> memref<1x!tpu.dma_semaphore, #tpu.memory_space<semaphore_mem>>
      %dma_start3A_442 = tpu.memref_squeeze %dma_start3A_441 : memref<1x!tpu.dma_semaphore, #tpu.memory_space<semaphore_mem>> -> memref<!tpu.dma_semaphore, #tpu.memory_space<semaphore_mem>>
      tpu.enqueue_indirect_dma source(%dma_start3A_440 : memref<100000x64xf32, #tpu.memory_space<hbm>>) target(%dma_start3A_434 : memref<200x64xf32, #tpu.memory_space<vmem>>) offsets(%dma_start3A_437 : memref<200xi32, #tpu.memory_space<vmem>>) semaphore(%dma_start3A_442 : memref<!tpu.dma_semaphore, #tpu.memory_space<semaphore_mem>>)
      %gt3A_443 = arith.constant 0 : i32
      %gt3A_444 = arith.cmpi sgt, %scan3A_268, %gt3A_443 : i32
      %convert_element_type3A_445 = arith.extui %gt3A_444 : i1 to i32
      %cond3A_446 = arith.constant 0 : i32
      %cond3A_447 = arith.cmpi ne, %convert_element_type3A_445, %cond3A_446 : i32
      scf.if %cond3A_447 {
        %dma_wait3A_875 = arith.constant 5 : i32
        %dma_wait3A_876 = arith.constant 5 : i32
        %dma_wait3A_877 = arith.constant 0 : i32
        %dma_wait3A_878 = arith.constant 0 : i32
        %dma_wait3A_879 = tpu.memref_slice %arg6[%dma_wait3A_875, %dma_wait3A_877, %dma_wait3A_878] : memref<8x200x64xf32, #tpu.memory_space<vmem>> -> memref<1x200x64xf32, #tpu.memory_space<vmem>>
        %dma_wait3A_880 = tpu.memref_squeeze %dma_wait3A_879 : memref<1x200x64xf32, #tpu.memory_space<vmem>> -> memref<200x64xf32, #tpu.memory_space<vmem>>
        %dma_wait3A_881 = arith.constant 0 : i32
        %dma_wait3A_882 = arith.constant 0 : i32
        %dma_wait3A_883 = tpu.memref_slice %arg4[%dma_wait3A_881, %dma_wait3A_882] : memref<3276800x64xf32, #tpu.memory_space<hbm>> -> memref<200x64xf32, #tpu.memory_space<hbm>>
        %dma_wait3A_884 = tpu.memref_slice %arg9[%dma_wait3A_876] : memref<8x!tpu.dma_semaphore, #tpu.memory_space<semaphore_mem>> -> memref<1x!tpu.dma_semaphore, #tpu.memory_space<semaphore_mem>>
        %dma_wait3A_885 = tpu.memref_squeeze %dma_wait3A_884 : memref<1x!tpu.dma_semaphore, #tpu.memory_space<semaphore_mem>> -> memref<!tpu.dma_semaphore, #tpu.memory_space<semaphore_mem>>
        %dma_wait3A_886 = arith.constant 0 : i32
        %dma_wait3A_887 = arith.constant 0 : i32
        %dma_wait3A_888 = tpu.memref_slice %arg4[%dma_wait3A_886, %dma_wait3A_887] : memref<3276800x64xf32, #tpu.memory_space<hbm>> -> memref<200x64xf32, #tpu.memory_space<hbm>>
        %dma_wait3A_889 = arith.constant 0 : i32
        %dma_wait3A_890 = arith.constant 0 : i32
        %dma_wait3A_891 = tpu.memref_slice %arg6[%dma_wait3A_875, %dma_wait3A_889, %dma_wait3A_890] : memref<8x200x64xf32, #tpu.memory_space<vmem>> -> memref<1x200x64xf32, #tpu.memory_space<vmem>>
        %dma_wait3A_892 = tpu.memref_squeeze %dma_wait3A_891 : memref<1x200x64xf32, #tpu.memory_space<vmem>> -> memref<200x64xf32, #tpu.memory_space<vmem>>
        tpu.wait_dma2 semaphore(%dma_wait3A_885 : memref<!tpu.dma_semaphore, #tpu.memory_space<semaphore_mem>>) src(%dma_wait3A_892 : memref<200x64xf32, #tpu.memory_space<vmem>>) dst(%dma_wait3A_888 : memref<200x64xf32, #tpu.memory_space<hbm>>)
      } else {
      }
      %add3A_448 = arith.constant 0 : i32
      %add3A_449 = arith.addi %mul3A_2, %add3A_448 : i32
      %multiple_of3A_450 = tpu.assume_multiple %add3A_449, 8 : i32
      %dma_wait3A_451 = arith.constant 5 : i32
      %dma_wait3A_452 = arith.constant 5 : i32
      %dma_wait3A_453 = arith.constant 0 : i32
      %dma_wait3A_454 = tpu.memref_slice %arg5[%dma_wait3A_451, %dma_wait3A_453] : memref<8x200xi32, #tpu.memory_space<vmem>> -> memref<1x200xi32, #tpu.memory_space<vmem>>
      %dma_wait3A_455 = tpu.memref_squeeze %dma_wait3A_454 : memref<1x200xi32, #tpu.memory_space<vmem>> -> memref<200xi32, #tpu.memory_space<vmem>>
      %dma_wait3A_456 = tpu.memref_slice %arg2[%multiple_of3A_450] : memref<3276800xi32, #tpu.memory_space<hbm>> -> memref<200xi32, #tpu.memory_space<hbm>>
      %dma_wait3A_457 = tpu.memref_slice %arg7[%dma_wait3A_452] : memref<8x!tpu.dma_semaphore, #tpu.memory_space<semaphore_mem>> -> memref<1x!tpu.dma_semaphore, #tpu.memory_space<semaphore_mem>>
      %dma_wait3A_458 = tpu.memref_squeeze %dma_wait3A_457 : memref<1x!tpu.dma_semaphore, #tpu.memory_space<semaphore_mem>> -> memref<!tpu.dma_semaphore, #tpu.memory_space<semaphore_mem>>
      %dma_wait3A_459 = arith.constant 0 : i32
      %dma_wait3A_460 = tpu.memref_slice %arg5[%dma_wait3A_451, %dma_wait3A_459] : memref<8x200xi32, #tpu.memory_space<vmem>> -> memref<1x200xi32, #tpu.memory_space<vmem>>
      %dma_wait3A_461 = tpu.memref_squeeze %dma_wait3A_460 : memref<1x200xi32, #tpu.memory_space<vmem>> -> memref<200xi32, #tpu.memory_space<vmem>>
      %dma_wait3A_462 = tpu.memref_slice %arg2[%multiple_of3A_450] : memref<3276800xi32, #tpu.memory_space<hbm>> -> memref<200xi32, #tpu.memory_space<hbm>>
      tpu.wait_dma2 semaphore(%dma_wait3A_458 : memref<!tpu.dma_semaphore, #tpu.memory_space<semaphore_mem>>) src(%dma_wait3A_462 : memref<200xi32, #tpu.memory_space<hbm>>) dst(%dma_wait3A_461 : memref<200xi32, #tpu.memory_space<vmem>>)
      %dma_start3A_463 = arith.constant 5 : i32
      %dma_start3A_464 = arith.constant 5 : i32
      %dma_start3A_465 = arith.constant 5 : i32
      %dma_start3A_466 = arith.constant 0 : i32
      %dma_start3A_467 = arith.constant 0 : i32
      %dma_start3A_468 = tpu.memref_slice %arg6[%dma_start3A_464, %dma_start3A_466, %dma_start3A_467] : memref<8x200x64xf32, #tpu.memory_space<vmem>> -> memref<1x200x64xf32, #tpu.memory_space<vmem>>
      %dma_start3A_469 = tpu.memref_squeeze %dma_start3A_468 : memref<1x200x64xf32, #tpu.memory_space<vmem>> -> memref<200x64xf32, #tpu.memory_space<vmem>>
      %dma_start3A_470 = arith.constant 0 : i32
      %dma_start3A_471 = tpu.memref_slice %arg5[%dma_start3A_463, %dma_start3A_470] : memref<8x200xi32, #tpu.memory_space<vmem>> -> memref<1x200xi32, #tpu.memory_space<vmem>>
      %dma_start3A_472 = tpu.memref_squeeze %dma_start3A_471 : memref<1x200xi32, #tpu.memory_space<vmem>> -> memref<200xi32, #tpu.memory_space<vmem>>
      %dma_start3A_473 = arith.constant 0 : i32
      %dma_start3A_474 = arith.constant 0 : i32
      %dma_start3A_475 = tpu.memref_slice %arg3[%dma_start3A_473, %dma_start3A_474] : memref<100000x64xf32, #tpu.memory_space<hbm>> -> memref<100000x64xf32, #tpu.memory_space<hbm>>
      %dma_start3A_476 = tpu.memref_slice %arg8[%dma_start3A_465] : memref<8x!tpu.dma_semaphore, #tpu.memory_space<semaphore_mem>> -> memref<1x!tpu.dma_semaphore, #tpu.memory_space<semaphore_mem>>
      %dma_start3A_477 = tpu.memref_squeeze %dma_start3A_476 : memref<1x!tpu.dma_semaphore, #tpu.memory_space<semaphore_mem>> -> memref<!tpu.dma_semaphore, #tpu.memory_space<semaphore_mem>>
      tpu.enqueue_indirect_dma source(%dma_start3A_475 : memref<100000x64xf32, #tpu.memory_space<hbm>>) target(%dma_start3A_469 : memref<200x64xf32, #tpu.memory_space<vmem>>) offsets(%dma_start3A_472 : memref<200xi32, #tpu.memory_space<vmem>>) semaphore(%dma_start3A_477 : memref<!tpu.dma_semaphore, #tpu.memory_space<semaphore_mem>>)
      %gt3A_478 = arith.constant 0 : i32
      %gt3A_479 = arith.cmpi sgt, %scan3A_268, %gt3A_478 : i32
      %convert_element_type3A_480 = arith.extui %gt3A_479 : i1 to i32
      %cond3A_481 = arith.constant 0 : i32
      %cond3A_482 = arith.cmpi ne, %convert_element_type3A_480, %cond3A_481 : i32
      scf.if %cond3A_482 {
        %dma_wait3A_875 = arith.constant 6 : i32
        %dma_wait3A_876 = arith.constant 6 : i32
        %dma_wait3A_877 = arith.constant 0 : i32
        %dma_wait3A_878 = arith.constant 0 : i32
        %dma_wait3A_879 = tpu.memref_slice %arg6[%dma_wait3A_875, %dma_wait3A_877, %dma_wait3A_878] : memref<8x200x64xf32, #tpu.memory_space<vmem>> -> memref<1x200x64xf32, #tpu.memory_space<vmem>>
        %dma_wait3A_880 = tpu.memref_squeeze %dma_wait3A_879 : memref<1x200x64xf32, #tpu.memory_space<vmem>> -> memref<200x64xf32, #tpu.memory_space<vmem>>
        %dma_wait3A_881 = arith.constant 0 : i32
        %dma_wait3A_882 = arith.constant 0 : i32
        %dma_wait3A_883 = tpu.memref_slice %arg4[%dma_wait3A_881, %dma_wait3A_882] : memref<3276800x64xf32, #tpu.memory_space<hbm>> -> memref<200x64xf32, #tpu.memory_space<hbm>>
        %dma_wait3A_884 = tpu.memref_slice %arg9[%dma_wait3A_876] : memref<8x!tpu.dma_semaphore, #tpu.memory_space<semaphore_mem>> -> memref<1x!tpu.dma_semaphore, #tpu.memory_space<semaphore_mem>>
        %dma_wait3A_885 = tpu.memref_squeeze %dma_wait3A_884 : memref<1x!tpu.dma_semaphore, #tpu.memory_space<semaphore_mem>> -> memref<!tpu.dma_semaphore, #tpu.memory_space<semaphore_mem>>
        %dma_wait3A_886 = arith.constant 0 : i32
        %dma_wait3A_887 = arith.constant 0 : i32
        %dma_wait3A_888 = tpu.memref_slice %arg4[%dma_wait3A_886, %dma_wait3A_887] : memref<3276800x64xf32, #tpu.memory_space<hbm>> -> memref<200x64xf32, #tpu.memory_space<hbm>>
        %dma_wait3A_889 = arith.constant 0 : i32
        %dma_wait3A_890 = arith.constant 0 : i32
        %dma_wait3A_891 = tpu.memref_slice %arg6[%dma_wait3A_875, %dma_wait3A_889, %dma_wait3A_890] : memref<8x200x64xf32, #tpu.memory_space<vmem>> -> memref<1x200x64xf32, #tpu.memory_space<vmem>>
        %dma_wait3A_892 = tpu.memref_squeeze %dma_wait3A_891 : memref<1x200x64xf32, #tpu.memory_space<vmem>> -> memref<200x64xf32, #tpu.memory_space<vmem>>
        tpu.wait_dma2 semaphore(%dma_wait3A_885 : memref<!tpu.dma_semaphore, #tpu.memory_space<semaphore_mem>>) src(%dma_wait3A_892 : memref<200x64xf32, #tpu.memory_space<vmem>>) dst(%dma_wait3A_888 : memref<200x64xf32, #tpu.memory_space<hbm>>)
      } else {
      }
      %add3A_483 = arith.constant 0 : i32
      %add3A_484 = arith.addi %mul3A_2, %add3A_483 : i32
      %multiple_of3A_485 = tpu.assume_multiple %add3A_484, 8 : i32
      %dma_wait3A_486 = arith.constant 6 : i32
      %dma_wait3A_487 = arith.constant 6 : i32
      %dma_wait3A_488 = arith.constant 0 : i32
      %dma_wait3A_489 = tpu.memref_slice %arg5[%dma_wait3A_486, %dma_wait3A_488] : memref<8x200xi32, #tpu.memory_space<vmem>> -> memref<1x200xi32, #tpu.memory_space<vmem>>
      %dma_wait3A_490 = tpu.memref_squeeze %dma_wait3A_489 : memref<1x200xi32, #tpu.memory_space<vmem>> -> memref<200xi32, #tpu.memory_space<vmem>>
      %dma_wait3A_491 = tpu.memref_slice %arg2[%multiple_of3A_485] : memref<3276800xi32, #tpu.memory_space<hbm>> -> memref<200xi32, #tpu.memory_space<hbm>>
      %dma_wait3A_492 = tpu.memref_slice %arg7[%dma_wait3A_487] : memref<8x!tpu.dma_semaphore, #tpu.memory_space<semaphore_mem>> -> memref<1x!tpu.dma_semaphore, #tpu.memory_space<semaphore_mem>>
      %dma_wait3A_493 = tpu.memref_squeeze %dma_wait3A_492 : memref<1x!tpu.dma_semaphore, #tpu.memory_space<semaphore_mem>> -> memref<!tpu.dma_semaphore, #tpu.memory_space<semaphore_mem>>
      %dma_wait3A_494 = arith.constant 0 : i32
      %dma_wait3A_495 = tpu.memref_slice %arg5[%dma_wait3A_486, %dma_wait3A_494] : memref<8x200xi32, #tpu.memory_space<vmem>> -> memref<1x200xi32, #tpu.memory_space<vmem>>
      %dma_wait3A_496 = tpu.memref_squeeze %dma_wait3A_495 : memref<1x200xi32, #tpu.memory_space<vmem>> -> memref<200xi32, #tpu.memory_space<vmem>>
      %dma_wait3A_497 = tpu.memref_slice %arg2[%multiple_of3A_485] : memref<3276800xi32, #tpu.memory_space<hbm>> -> memref<200xi32, #tpu.memory_space<hbm>>
      tpu.wait_dma2 semaphore(%dma_wait3A_493 : memref<!tpu.dma_semaphore, #tpu.memory_space<semaphore_mem>>) src(%dma_wait3A_497 : memref<200xi32, #tpu.memory_space<hbm>>) dst(%dma_wait3A_496 : memref<200xi32, #tpu.memory_space<vmem>>)
      %dma_start3A_498 = arith.constant 6 : i32
      %dma_start3A_499 = arith.constant 6 : i32
      %dma_start3A_500 = arith.constant 6 : i32
      %dma_start3A_501 = arith.constant 0 : i32
      %dma_start3A_502 = arith.constant 0 : i32
      %dma_start3A_503 = tpu.memref_slice %arg6[%dma_start3A_499, %dma_start3A_501, %dma_start3A_502] : memref<8x200x64xf32, #tpu.memory_space<vmem>> -> memref<1x200x64xf32, #tpu.memory_space<vmem>>
      %dma_start3A_504 = tpu.memref_squeeze %dma_start3A_503 : memref<1x200x64xf32, #tpu.memory_space<vmem>> -> memref<200x64xf32, #tpu.memory_space<vmem>>
      %dma_start3A_505 = arith.constant 0 : i32
      %dma_start3A_506 = tpu.memref_slice %arg5[%dma_start3A_498, %dma_start3A_505] : memref<8x200xi32, #tpu.memory_space<vmem>> -> memref<1x200xi32, #tpu.memory_space<vmem>>
      %dma_start3A_507 = tpu.memref_squeeze %dma_start3A_506 : memref<1x200xi32, #tpu.memory_space<vmem>> -> memref<200xi32, #tpu.memory_space<vmem>>
      %dma_start3A_508 = arith.constant 0 : i32
      %dma_start3A_509 = arith.constant 0 : i32
      %dma_start3A_510 = tpu.memref_slice %arg3[%dma_start3A_508, %dma_start3A_509] : memref<100000x64xf32, #tpu.memory_space<hbm>> -> memref<100000x64xf32, #tpu.memory_space<hbm>>
      %dma_start3A_511 = tpu.memref_slice %arg8[%dma_start3A_500] : memref<8x!tpu.dma_semaphore, #tpu.memory_space<semaphore_mem>> -> memref<1x!tpu.dma_semaphore, #tpu.memory_space<semaphore_mem>>
      %dma_start3A_512 = tpu.memref_squeeze %dma_start3A_511 : memref<1x!tpu.dma_semaphore, #tpu.memory_space<semaphore_mem>> -> memref<!tpu.dma_semaphore, #tpu.memory_space<semaphore_mem>>
      tpu.enqueue_indirect_dma source(%dma_start3A_510 : memref<100000x64xf32, #tpu.memory_space<hbm>>) target(%dma_start3A_504 : memref<200x64xf32, #tpu.memory_space<vmem>>) offsets(%dma_start3A_507 : memref<200xi32, #tpu.memory_space<vmem>>) semaphore(%dma_start3A_512 : memref<!tpu.dma_semaphore, #tpu.memory_space<semaphore_mem>>)
      %gt3A_513 = arith.constant 0 : i32
      %gt3A_514 = arith.cmpi sgt, %scan3A_268, %gt3A_513 : i32
      %convert_element_type3A_515 = arith.extui %gt3A_514 : i1 to i32
      %cond3A_516 = arith.constant 0 : i32
      %cond3A_517 = arith.cmpi ne, %convert_element_type3A_515, %cond3A_516 : i32
      scf.if %cond3A_517 {
        %dma_wait3A_875 = arith.constant 7 : i32
        %dma_wait3A_876 = arith.constant 7 : i32
        %dma_wait3A_877 = arith.constant 0 : i32
        %dma_wait3A_878 = arith.constant 0 : i32
        %dma_wait3A_879 = tpu.memref_slice %arg6[%dma_wait3A_875, %dma_wait3A_877, %dma_wait3A_878] : memref<8x200x64xf32, #tpu.memory_space<vmem>> -> memref<1x200x64xf32, #tpu.memory_space<vmem>>
        %dma_wait3A_880 = tpu.memref_squeeze %dma_wait3A_879 : memref<1x200x64xf32, #tpu.memory_space<vmem>> -> memref<200x64xf32, #tpu.memory_space<vmem>>
        %dma_wait3A_881 = arith.constant 0 : i32
        %dma_wait3A_882 = arith.constant 0 : i32
        %dma_wait3A_883 = tpu.memref_slice %arg4[%dma_wait3A_881, %dma_wait3A_882] : memref<3276800x64xf32, #tpu.memory_space<hbm>> -> memref<200x64xf32, #tpu.memory_space<hbm>>
        %dma_wait3A_884 = tpu.memref_slice %arg9[%dma_wait3A_876] : memref<8x!tpu.dma_semaphore, #tpu.memory_space<semaphore_mem>> -> memref<1x!tpu.dma_semaphore, #tpu.memory_space<semaphore_mem>>
        %dma_wait3A_885 = tpu.memref_squeeze %dma_wait3A_884 : memref<1x!tpu.dma_semaphore, #tpu.memory_space<semaphore_mem>> -> memref<!tpu.dma_semaphore, #tpu.memory_space<semaphore_mem>>
        %dma_wait3A_886 = arith.constant 0 : i32
        %dma_wait3A_887 = arith.constant 0 : i32
        %dma_wait3A_888 = tpu.memref_slice %arg4[%dma_wait3A_886, %dma_wait3A_887] : memref<3276800x64xf32, #tpu.memory_space<hbm>> -> memref<200x64xf32, #tpu.memory_space<hbm>>
        %dma_wait3A_889 = arith.constant 0 : i32
        %dma_wait3A_890 = arith.constant 0 : i32
        %dma_wait3A_891 = tpu.memref_slice %arg6[%dma_wait3A_875, %dma_wait3A_889, %dma_wait3A_890] : memref<8x200x64xf32, #tpu.memory_space<vmem>> -> memref<1x200x64xf32, #tpu.memory_space<vmem>>
        %dma_wait3A_892 = tpu.memref_squeeze %dma_wait3A_891 : memref<1x200x64xf32, #tpu.memory_space<vmem>> -> memref<200x64xf32, #tpu.memory_space<vmem>>
        tpu.wait_dma2 semaphore(%dma_wait3A_885 : memref<!tpu.dma_semaphore, #tpu.memory_space<semaphore_mem>>) src(%dma_wait3A_892 : memref<200x64xf32, #tpu.memory_space<vmem>>) dst(%dma_wait3A_888 : memref<200x64xf32, #tpu.memory_space<hbm>>)
      } else {
      }
      %add3A_518 = arith.constant 0 : i32
      %add3A_519 = arith.addi %mul3A_2, %add3A_518 : i32
      %multiple_of3A_520 = tpu.assume_multiple %add3A_519, 8 : i32
      %dma_wait3A_521 = arith.constant 7 : i32
      %dma_wait3A_522 = arith.constant 7 : i32
      %dma_wait3A_523 = arith.constant 0 : i32
      %dma_wait3A_524 = tpu.memref_slice %arg5[%dma_wait3A_521, %dma_wait3A_523] : memref<8x200xi32, #tpu.memory_space<vmem>> -> memref<1x200xi32, #tpu.memory_space<vmem>>
      %dma_wait3A_525 = tpu.memref_squeeze %dma_wait3A_524 : memref<1x200xi32, #tpu.memory_space<vmem>> -> memref<200xi32, #tpu.memory_space<vmem>>
      %dma_wait3A_526 = tpu.memref_slice %arg2[%multiple_of3A_520] : memref<3276800xi32, #tpu.memory_space<hbm>> -> memref<200xi32, #tpu.memory_space<hbm>>
      %dma_wait3A_527 = tpu.memref_slice %arg7[%dma_wait3A_522] : memref<8x!tpu.dma_semaphore, #tpu.memory_space<semaphore_mem>> -> memref<1x!tpu.dma_semaphore, #tpu.memory_space<semaphore_mem>>
      %dma_wait3A_528 = tpu.memref_squeeze %dma_wait3A_527 : memref<1x!tpu.dma_semaphore, #tpu.memory_space<semaphore_mem>> -> memref<!tpu.dma_semaphore, #tpu.memory_space<semaphore_mem>>
      %dma_wait3A_529 = arith.constant 0 : i32
      %dma_wait3A_530 = tpu.memref_slice %arg5[%dma_wait3A_521, %dma_wait3A_529] : memref<8x200xi32, #tpu.memory_space<vmem>> -> memref<1x200xi32, #tpu.memory_space<vmem>>
      %dma_wait3A_531 = tpu.memref_squeeze %dma_wait3A_530 : memref<1x200xi32, #tpu.memory_space<vmem>> -> memref<200xi32, #tpu.memory_space<vmem>>
      %dma_wait3A_532 = tpu.memref_slice %arg2[%multiple_of3A_520] : memref<3276800xi32, #tpu.memory_space<hbm>> -> memref<200xi32, #tpu.memory_space<hbm>>
      tpu.wait_dma2 semaphore(%dma_wait3A_528 : memref<!tpu.dma_semaphore, #tpu.memory_space<semaphore_mem>>) src(%dma_wait3A_532 : memref<200xi32, #tpu.memory_space<hbm>>) dst(%dma_wait3A_531 : memref<200xi32, #tpu.memory_space<vmem>>)
      %dma_start3A_533 = arith.constant 7 : i32
      %dma_start3A_534 = arith.constant 7 : i32
      %dma_start3A_535 = arith.constant 7 : i32
      %dma_start3A_536 = arith.constant 0 : i32
      %dma_start3A_537 = arith.constant 0 : i32
      %dma_start3A_538 = tpu.memref_slice %arg6[%dma_start3A_534, %dma_start3A_536, %dma_start3A_537] : memref<8x200x64xf32, #tpu.memory_space<vmem>> -> memref<1x200x64xf32, #tpu.memory_space<vmem>>
      %dma_start3A_539 = tpu.memref_squeeze %dma_start3A_538 : memref<1x200x64xf32, #tpu.memory_space<vmem>> -> memref<200x64xf32, #tpu.memory_space<vmem>>
      %dma_start3A_540 = arith.constant 0 : i32
      %dma_start3A_541 = tpu.memref_slice %arg5[%dma_start3A_533, %dma_start3A_540] : memref<8x200xi32, #tpu.memory_space<vmem>> -> memref<1x200xi32, #tpu.memory_space<vmem>>
      %dma_start3A_542 = tpu.memref_squeeze %dma_start3A_541 : memref<1x200xi32, #tpu.memory_space<vmem>> -> memref<200xi32, #tpu.memory_space<vmem>>
      %dma_start3A_543 = arith.constant 0 : i32
      %dma_start3A_544 = arith.constant 0 : i32
      %dma_start3A_545 = tpu.memref_slice %arg3[%dma_start3A_543, %dma_start3A_544] : memref<100000x64xf32, #tpu.memory_space<hbm>> -> memref<100000x64xf32, #tpu.memory_space<hbm>>
      %dma_start3A_546 = tpu.memref_slice %arg8[%dma_start3A_535] : memref<8x!tpu.dma_semaphore, #tpu.memory_space<semaphore_mem>> -> memref<1x!tpu.dma_semaphore, #tpu.memory_space<semaphore_mem>>
      %dma_start3A_547 = tpu.memref_squeeze %dma_start3A_546 : memref<1x!tpu.dma_semaphore, #tpu.memory_space<semaphore_mem>> -> memref<!tpu.dma_semaphore, #tpu.memory_space<semaphore_mem>>
      tpu.enqueue_indirect_dma source(%dma_start3A_545 : memref<100000x64xf32, #tpu.memory_space<hbm>>) target(%dma_start3A_539 : memref<200x64xf32, #tpu.memory_space<vmem>>) offsets(%dma_start3A_542 : memref<200xi32, #tpu.memory_space<vmem>>) semaphore(%dma_start3A_547 : memref<!tpu.dma_semaphore, #tpu.memory_space<semaphore_mem>>)
      %dma_wait3A_548 = arith.constant 0 : i32
      %dma_wait3A_549 = arith.constant 0 : i32
      %dma_wait3A_550 = arith.constant 0 : i32
      %dma_wait3A_551 = arith.constant 0 : i32
      %dma_wait3A_552 = arith.constant 0 : i32
      %dma_wait3A_553 = tpu.memref_slice %arg6[%dma_wait3A_549, %dma_wait3A_551, %dma_wait3A_552] : memref<8x200x64xf32, #tpu.memory_space<vmem>> -> memref<1x200x64xf32, #tpu.memory_space<vmem>>
      %dma_wait3A_554 = tpu.memref_squeeze %dma_wait3A_553 : memref<1x200x64xf32, #tpu.memory_space<vmem>> -> memref<200x64xf32, #tpu.memory_space<vmem>>
      %dma_wait3A_555 = arith.constant 0 : i32
      %dma_wait3A_556 = tpu.memref_slice %arg5[%dma_wait3A_548, %dma_wait3A_555] : memref<8x200xi32, #tpu.memory_space<vmem>> -> memref<1x200xi32, #tpu.memory_space<vmem>>
      %dma_wait3A_557 = tpu.memref_squeeze %dma_wait3A_556 : memref<1x200xi32, #tpu.memory_space<vmem>> -> memref<200xi32, #tpu.memory_space<vmem>>
      %dma_wait3A_558 = arith.constant 0 : i32
      %dma_wait3A_559 = arith.constant 0 : i32
      %dma_wait3A_560 = tpu.memref_slice %arg3[%dma_wait3A_558, %dma_wait3A_559] : memref<100000x64xf32, #tpu.memory_space<hbm>> -> memref<100000x64xf32, #tpu.memory_space<hbm>>
      %dma_wait3A_561 = tpu.memref_slice %arg8[%dma_wait3A_550] : memref<8x!tpu.dma_semaphore, #tpu.memory_space<semaphore_mem>> -> memref<1x!tpu.dma_semaphore, #tpu.memory_space<semaphore_mem>>
      %dma_wait3A_562 = tpu.memref_squeeze %dma_wait3A_561 : memref<1x!tpu.dma_semaphore, #tpu.memory_space<semaphore_mem>> -> memref<!tpu.dma_semaphore, #tpu.memory_space<semaphore_mem>>
      tpu.wait_indirect_dma semaphore(%dma_wait3A_562 : memref<!tpu.dma_semaphore, #tpu.memory_space<semaphore_mem>>) src(%dma_wait3A_560 : memref<100000x64xf32, #tpu.memory_space<hbm>>) dst(%dma_wait3A_554 : memref<200x64xf32, #tpu.memory_space<vmem>>)
      %add3A_563 = arith.constant 0 : i32
      %add3A_564 = arith.addi %mul3A_270, %add3A_563 : i32
      %mul3A_565 = arith.constant 200 : i32
      %mul3A_566 = arith.muli %add3A_564, %mul3A_565 : i32
      %add3A_567 = arith.addi %mul3A_2, %mul3A_566 : i32
      %dma_start3A_568 = arith.constant 0 : i32
      %dma_start3A_569 = arith.constant 0 : i32
      %dma_start3A_570 = arith.constant 0 : i32
      %dma_start3A_571 = arith.constant 0 : i32
      %dma_start3A_572 = tpu.memref_slice %arg6[%dma_start3A_568, %dma_start3A_570, %dma_start3A_571] : memref<8x200x64xf32, #tpu.memory_space<vmem>> -> memref<1x200x64xf32, #tpu.memory_space<vmem>>
      %dma_start3A_573 = tpu.memref_squeeze %dma_start3A_572 : memref<1x200x64xf32, #tpu.memory_space<vmem>> -> memref<200x64xf32, #tpu.memory_space<vmem>>
      %dma_start3A_574 = arith.constant 0 : i32
      %dma_start3A_575 = tpu.memref_slice %arg4[%add3A_567, %dma_start3A_574] : memref<3276800x64xf32, #tpu.memory_space<hbm>> -> memref<200x64xf32, #tpu.memory_space<hbm>>
      %dma_start3A_576 = tpu.memref_slice %arg9[%dma_start3A_569] : memref<8x!tpu.dma_semaphore, #tpu.memory_space<semaphore_mem>> -> memref<1x!tpu.dma_semaphore, #tpu.memory_space<semaphore_mem>>
      %dma_start3A_577 = tpu.memref_squeeze %dma_start3A_576 : memref<1x!tpu.dma_semaphore, #tpu.memory_space<semaphore_mem>> -> memref<!tpu.dma_semaphore, #tpu.memory_space<semaphore_mem>>
      %dma_start3A_578 = arith.constant 0 : i32
      %dma_start3A_579 = tpu.memref_slice %arg4[%add3A_567, %dma_start3A_578] : memref<3276800x64xf32, #tpu.memory_space<hbm>> -> memref<200x64xf32, #tpu.memory_space<hbm>>
      %dma_start3A_580 = arith.constant 0 : i32
      %dma_start3A_581 = arith.constant 0 : i32
      %dma_start3A_582 = tpu.memref_slice %arg6[%dma_start3A_568, %dma_start3A_580, %dma_start3A_581] : memref<8x200x64xf32, #tpu.memory_space<vmem>> -> memref<1x200x64xf32, #tpu.memory_space<vmem>>
      %dma_start3A_583 = tpu.memref_squeeze %dma_start3A_582 : memref<1x200x64xf32, #tpu.memory_space<vmem>> -> memref<200x64xf32, #tpu.memory_space<vmem>>
      tpu.enqueue_dma source(%dma_start3A_583 : memref<200x64xf32, #tpu.memory_space<vmem>>) target(%dma_start3A_579 : memref<200x64xf32, #tpu.memory_space<hbm>>) target_semaphore(%dma_start3A_577 : memref<!tpu.dma_semaphore, #tpu.memory_space<semaphore_mem>>)
      %lt3A = arith.constant 63 : i32
      %lt3A_584 = arith.cmpi slt, %scan3A_268, %lt3A : i32
      %convert_element_type3A_585 = arith.extui %lt3A_584 : i1 to i32
      %cond3A_586 = arith.constant 0 : i32
      %cond3A_587 = arith.cmpi ne, %convert_element_type3A_585, %cond3A_586 : i32
      scf.if %cond3A_587 {
        %add3A_875 = arith.constant 8 : i32
        %add3A_876 = arith.addi %mul3A_270, %add3A_875 : i32
        %add3A_877 = arith.constant 0 : i32
        %add3A_878 = arith.addi %add3A_876, %add3A_877 : i32
        %mul3A_879 = arith.constant 200 : i32
        %mul3A_880 = arith.muli %add3A_878, %mul3A_879 : i32
        %add3A_881 = arith.addi %mul3A_2, %mul3A_880 : i32
        %multiple_of3A_882 = tpu.assume_multiple %add3A_881, 8 : i32
        %dma_start3A_883 = arith.constant 0 : i32
        %dma_start3A_884 = arith.constant 0 : i32
        %dma_start3A_885 = arith.constant 0 : i32
        %dma_start3A_886 = tpu.memref_slice %arg5[%dma_start3A_883, %dma_start3A_885] : memref<8x200xi32, #tpu.memory_space<vmem>> -> memref<1x200xi32, #tpu.memory_space<vmem>>
        %dma_start3A_887 = tpu.memref_squeeze %dma_start3A_886 : memref<1x200xi32, #tpu.memory_space<vmem>> -> memref<200xi32, #tpu.memory_space<vmem>>
        %dma_start3A_888 = tpu.memref_slice %arg2[%multiple_of3A_882] : memref<3276800xi32, #tpu.memory_space<hbm>> -> memref<200xi32, #tpu.memory_space<hbm>>
        %dma_start3A_889 = tpu.memref_slice %arg7[%dma_start3A_884] : memref<8x!tpu.dma_semaphore, #tpu.memory_space<semaphore_mem>> -> memref<1x!tpu.dma_semaphore, #tpu.memory_space<semaphore_mem>>
        %dma_start3A_890 = tpu.memref_squeeze %dma_start3A_889 : memref<1x!tpu.dma_semaphore, #tpu.memory_space<semaphore_mem>> -> memref<!tpu.dma_semaphore, #tpu.memory_space<semaphore_mem>>
        %dma_start3A_891 = arith.constant 0 : i32
        %dma_start3A_892 = tpu.memref_slice %arg5[%dma_start3A_883, %dma_start3A_891] : memref<8x200xi32, #tpu.memory_space<vmem>> -> memref<1x200xi32, #tpu.memory_space<vmem>>
        %dma_start3A_893 = tpu.memref_squeeze %dma_start3A_892 : memref<1x200xi32, #tpu.memory_space<vmem>> -> memref<200xi32, #tpu.memory_space<vmem>>
        %dma_start3A_894 = tpu.memref_slice %arg2[%multiple_of3A_882] : memref<3276800xi32, #tpu.memory_space<hbm>> -> memref<200xi32, #tpu.memory_space<hbm>>
        tpu.enqueue_dma source(%dma_start3A_894 : memref<200xi32, #tpu.memory_space<hbm>>) target(%dma_start3A_893 : memref<200xi32, #tpu.memory_space<vmem>>) target_semaphore(%dma_start3A_890 : memref<!tpu.dma_semaphore, #tpu.memory_space<semaphore_mem>>)
      } else {
      }
      %dma_wait3A_588 = arith.constant 1 : i32
      %dma_wait3A_589 = arith.constant 1 : i32
      %dma_wait3A_590 = arith.constant 1 : i32
      %dma_wait3A_591 = arith.constant 0 : i32
      %dma_wait3A_592 = arith.constant 0 : i32
      %dma_wait3A_593 = tpu.memref_slice %arg6[%dma_wait3A_589, %dma_wait3A_591, %dma_wait3A_592] : memref<8x200x64xf32, #tpu.memory_space<vmem>> -> memref<1x200x64xf32, #tpu.memory_space<vmem>>
      %dma_wait3A_594 = tpu.memref_squeeze %dma_wait3A_593 : memref<1x200x64xf32, #tpu.memory_space<vmem>> -> memref<200x64xf32, #tpu.memory_space<vmem>>
      %dma_wait3A_595 = arith.constant 0 : i32
      %dma_wait3A_596 = tpu.memref_slice %arg5[%dma_wait3A_588, %dma_wait3A_595] : memref<8x200xi32, #tpu.memory_space<vmem>> -> memref<1x200xi32, #tpu.memory_space<vmem>>
      %dma_wait3A_597 = tpu.memref_squeeze %dma_wait3A_596 : memref<1x200xi32, #tpu.memory_space<vmem>> -> memref<200xi32, #tpu.memory_space<vmem>>
      %dma_wait3A_598 = arith.constant 0 : i32
      %dma_wait3A_599 = arith.constant 0 : i32
      %dma_wait3A_600 = tpu.memref_slice %arg3[%dma_wait3A_598, %dma_wait3A_599] : memref<100000x64xf32, #tpu.memory_space<hbm>> -> memref<100000x64xf32, #tpu.memory_space<hbm>>
      %dma_wait3A_601 = tpu.memref_slice %arg8[%dma_wait3A_590] : memref<8x!tpu.dma_semaphore, #tpu.memory_space<semaphore_mem>> -> memref<1x!tpu.dma_semaphore, #tpu.memory_space<semaphore_mem>>
      %dma_wait3A_602 = tpu.memref_squeeze %dma_wait3A_601 : memref<1x!tpu.dma_semaphore, #tpu.memory_space<semaphore_mem>> -> memref<!tpu.dma_semaphore, #tpu.memory_space<semaphore_mem>>
      tpu.wait_indirect_dma semaphore(%dma_wait3A_602 : memref<!tpu.dma_semaphore, #tpu.memory_space<semaphore_mem>>) src(%dma_wait3A_600 : memref<100000x64xf32, #tpu.memory_space<hbm>>) dst(%dma_wait3A_594 : memref<200x64xf32, #tpu.memory_space<vmem>>)
      %add3A_603 = arith.constant 1 : i32
      %add3A_604 = arith.addi %mul3A_270, %add3A_603 : i32
      %mul3A_605 = arith.constant 200 : i32
      %mul3A_606 = arith.muli %add3A_604, %mul3A_605 : i32
      %add3A_607 = arith.addi %mul3A_2, %mul3A_606 : i32
      %dma_start3A_608 = arith.constant 1 : i32
      %dma_start3A_609 = arith.constant 1 : i32
      %dma_start3A_610 = arith.constant 0 : i32
      %dma_start3A_611 = arith.constant 0 : i32
      %dma_start3A_612 = tpu.memref_slice %arg6[%dma_start3A_608, %dma_start3A_610, %dma_start3A_611] : memref<8x200x64xf32, #tpu.memory_space<vmem>> -> memref<1x200x64xf32, #tpu.memory_space<vmem>>
      %dma_start3A_613 = tpu.memref_squeeze %dma_start3A_612 : memref<1x200x64xf32, #tpu.memory_space<vmem>> -> memref<200x64xf32, #tpu.memory_space<vmem>>
      %dma_start3A_614 = arith.constant 0 : i32
      %dma_start3A_615 = tpu.memref_slice %arg4[%add3A_607, %dma_start3A_614] : memref<3276800x64xf32, #tpu.memory_space<hbm>> -> memref<200x64xf32, #tpu.memory_space<hbm>>
      %dma_start3A_616 = tpu.memref_slice %arg9[%dma_start3A_609] : memref<8x!tpu.dma_semaphore, #tpu.memory_space<semaphore_mem>> -> memref<1x!tpu.dma_semaphore, #tpu.memory_space<semaphore_mem>>
      %dma_start3A_617 = tpu.memref_squeeze %dma_start3A_616 : memref<1x!tpu.dma_semaphore, #tpu.memory_space<semaphore_mem>> -> memref<!tpu.dma_semaphore, #tpu.memory_space<semaphore_mem>>
      %dma_start3A_618 = arith.constant 0 : i32
      %dma_start3A_619 = tpu.memref_slice %arg4[%add3A_607, %dma_start3A_618] : memref<3276800x64xf32, #tpu.memory_space<hbm>> -> memref<200x64xf32, #tpu.memory_space<hbm>>
      %dma_start3A_620 = arith.constant 0 : i32
      %dma_start3A_621 = arith.constant 0 : i32
      %dma_start3A_622 = tpu.memref_slice %arg6[%dma_start3A_608, %dma_start3A_620, %dma_start3A_621] : memref<8x200x64xf32, #tpu.memory_space<vmem>> -> memref<1x200x64xf32, #tpu.memory_space<vmem>>
      %dma_start3A_623 = tpu.memref_squeeze %dma_start3A_622 : memref<1x200x64xf32, #tpu.memory_space<vmem>> -> memref<200x64xf32, #tpu.memory_space<vmem>>
      tpu.enqueue_dma source(%dma_start3A_623 : memref<200x64xf32, #tpu.memory_space<vmem>>) target(%dma_start3A_619 : memref<200x64xf32, #tpu.memory_space<hbm>>) target_semaphore(%dma_start3A_617 : memref<!tpu.dma_semaphore, #tpu.memory_space<semaphore_mem>>)
      %lt3A_624 = arith.constant 63 : i32
      %lt3A_625 = arith.cmpi slt, %scan3A_268, %lt3A_624 : i32
      %convert_element_type3A_626 = arith.extui %lt3A_625 : i1 to i32
      %cond3A_627 = arith.constant 0 : i32
      %cond3A_628 = arith.cmpi ne, %convert_element_type3A_626, %cond3A_627 : i32
      scf.if %cond3A_628 {
        %add3A_875 = arith.constant 8 : i32
        %add3A_876 = arith.addi %mul3A_270, %add3A_875 : i32
        %add3A_877 = arith.constant 1 : i32
        %add3A_878 = arith.addi %add3A_876, %add3A_877 : i32
        %mul3A_879 = arith.constant 200 : i32
        %mul3A_880 = arith.muli %add3A_878, %mul3A_879 : i32
        %add3A_881 = arith.addi %mul3A_2, %mul3A_880 : i32
        %multiple_of3A_882 = tpu.assume_multiple %add3A_881, 8 : i32
        %dma_start3A_883 = arith.constant 1 : i32
        %dma_start3A_884 = arith.constant 1 : i32
        %dma_start3A_885 = arith.constant 0 : i32
        %dma_start3A_886 = tpu.memref_slice %arg5[%dma_start3A_883, %dma_start3A_885] : memref<8x200xi32, #tpu.memory_space<vmem>> -> memref<1x200xi32, #tpu.memory_space<vmem>>
        %dma_start3A_887 = tpu.memref_squeeze %dma_start3A_886 : memref<1x200xi32, #tpu.memory_space<vmem>> -> memref<200xi32, #tpu.memory_space<vmem>>
        %dma_start3A_888 = tpu.memref_slice %arg2[%multiple_of3A_882] : memref<3276800xi32, #tpu.memory_space<hbm>> -> memref<200xi32, #tpu.memory_space<hbm>>
        %dma_start3A_889 = tpu.memref_slice %arg7[%dma_start3A_884] : memref<8x!tpu.dma_semaphore, #tpu.memory_space<semaphore_mem>> -> memref<1x!tpu.dma_semaphore, #tpu.memory_space<semaphore_mem>>
        %dma_start3A_890 = tpu.memref_squeeze %dma_start3A_889 : memref<1x!tpu.dma_semaphore, #tpu.memory_space<semaphore_mem>> -> memref<!tpu.dma_semaphore, #tpu.memory_space<semaphore_mem>>
        %dma_start3A_891 = arith.constant 0 : i32
        %dma_start3A_892 = tpu.memref_slice %arg5[%dma_start3A_883, %dma_start3A_891] : memref<8x200xi32, #tpu.memory_space<vmem>> -> memref<1x200xi32, #tpu.memory_space<vmem>>
        %dma_start3A_893 = tpu.memref_squeeze %dma_start3A_892 : memref<1x200xi32, #tpu.memory_space<vmem>> -> memref<200xi32, #tpu.memory_space<vmem>>
        %dma_start3A_894 = tpu.memref_slice %arg2[%multiple_of3A_882] : memref<3276800xi32, #tpu.memory_space<hbm>> -> memref<200xi32, #tpu.memory_space<hbm>>
        tpu.enqueue_dma source(%dma_start3A_894 : memref<200xi32, #tpu.memory_space<hbm>>) target(%dma_start3A_893 : memref<200xi32, #tpu.memory_space<vmem>>) target_semaphore(%dma_start3A_890 : memref<!tpu.dma_semaphore, #tpu.memory_space<semaphore_mem>>)
      } else {
      }
      %dma_wait3A_629 = arith.constant 2 : i32
      %dma_wait3A_630 = arith.constant 2 : i32
      %dma_wait3A_631 = arith.constant 2 : i32
      %dma_wait3A_632 = arith.constant 0 : i32
      %dma_wait3A_633 = arith.constant 0 : i32
      %dma_wait3A_634 = tpu.memref_slice %arg6[%dma_wait3A_630, %dma_wait3A_632, %dma_wait3A_633] : memref<8x200x64xf32, #tpu.memory_space<vmem>> -> memref<1x200x64xf32, #tpu.memory_space<vmem>>
      %dma_wait3A_635 = tpu.memref_squeeze %dma_wait3A_634 : memref<1x200x64xf32, #tpu.memory_space<vmem>> -> memref<200x64xf32, #tpu.memory_space<vmem>>
      %dma_wait3A_636 = arith.constant 0 : i32
      %dma_wait3A_637 = tpu.memref_slice %arg5[%dma_wait3A_629, %dma_wait3A_636] : memref<8x200xi32, #tpu.memory_space<vmem>> -> memref<1x200xi32, #tpu.memory_space<vmem>>
      %dma_wait3A_638 = tpu.memref_squeeze %dma_wait3A_637 : memref<1x200xi32, #tpu.memory_space<vmem>> -> memref<200xi32, #tpu.memory_space<vmem>>
      %dma_wait3A_639 = arith.constant 0 : i32
      %dma_wait3A_640 = arith.constant 0 : i32
      %dma_wait3A_641 = tpu.memref_slice %arg3[%dma_wait3A_639, %dma_wait3A_640] : memref<100000x64xf32, #tpu.memory_space<hbm>> -> memref<100000x64xf32, #tpu.memory_space<hbm>>
      %dma_wait3A_642 = tpu.memref_slice %arg8[%dma_wait3A_631] : memref<8x!tpu.dma_semaphore, #tpu.memory_space<semaphore_mem>> -> memref<1x!tpu.dma_semaphore, #tpu.memory_space<semaphore_mem>>
      %dma_wait3A_643 = tpu.memref_squeeze %dma_wait3A_642 : memref<1x!tpu.dma_semaphore, #tpu.memory_space<semaphore_mem>> -> memref<!tpu.dma_semaphore, #tpu.memory_space<semaphore_mem>>
      tpu.wait_indirect_dma semaphore(%dma_wait3A_643 : memref<!tpu.dma_semaphore, #tpu.memory_space<semaphore_mem>>) src(%dma_wait3A_641 : memref<100000x64xf32, #tpu.memory_space<hbm>>) dst(%dma_wait3A_635 : memref<200x64xf32, #tpu.memory_space<vmem>>)
      %add3A_644 = arith.constant 2 : i32
      %add3A_645 = arith.addi %mul3A_270, %add3A_644 : i32
      %mul3A_646 = arith.constant 200 : i32
      %mul3A_647 = arith.muli %add3A_645, %mul3A_646 : i32
      %add3A_648 = arith.addi %mul3A_2, %mul3A_647 : i32
      %dma_start3A_649 = arith.constant 2 : i32
      %dma_start3A_650 = arith.constant 2 : i32
      %dma_start3A_651 = arith.constant 0 : i32
      %dma_start3A_652 = arith.constant 0 : i32
      %dma_start3A_653 = tpu.memref_slice %arg6[%dma_start3A_649, %dma_start3A_651, %dma_start3A_652] : memref<8x200x64xf32, #tpu.memory_space<vmem>> -> memref<1x200x64xf32, #tpu.memory_space<vmem>>
      %dma_start3A_654 = tpu.memref_squeeze %dma_start3A_653 : memref<1x200x64xf32, #tpu.memory_space<vmem>> -> memref<200x64xf32, #tpu.memory_space<vmem>>
      %dma_start3A_655 = arith.constant 0 : i32
      %dma_start3A_656 = tpu.memref_slice %arg4[%add3A_648, %dma_start3A_655] : memref<3276800x64xf32, #tpu.memory_space<hbm>> -> memref<200x64xf32, #tpu.memory_space<hbm>>
      %dma_start3A_657 = tpu.memref_slice %arg9[%dma_start3A_650] : memref<8x!tpu.dma_semaphore, #tpu.memory_space<semaphore_mem>> -> memref<1x!tpu.dma_semaphore, #tpu.memory_space<semaphore_mem>>
      %dma_start3A_658 = tpu.memref_squeeze %dma_start3A_657 : memref<1x!tpu.dma_semaphore, #tpu.memory_space<semaphore_mem>> -> memref<!tpu.dma_semaphore, #tpu.memory_space<semaphore_mem>>
      %dma_start3A_659 = arith.constant 0 : i32
      %dma_start3A_660 = tpu.memref_slice %arg4[%add3A_648, %dma_start3A_659] : memref<3276800x64xf32, #tpu.memory_space<hbm>> -> memref<200x64xf32, #tpu.memory_space<hbm>>
      %dma_start3A_661 = arith.constant 0 : i32
      %dma_start3A_662 = arith.constant 0 : i32
      %dma_start3A_663 = tpu.memref_slice %arg6[%dma_start3A_649, %dma_start3A_661, %dma_start3A_662] : memref<8x200x64xf32, #tpu.memory_space<vmem>> -> memref<1x200x64xf32, #tpu.memory_space<vmem>>
      %dma_start3A_664 = tpu.memref_squeeze %dma_start3A_663 : memref<1x200x64xf32, #tpu.memory_space<vmem>> -> memref<200x64xf32, #tpu.memory_space<vmem>>
      tpu.enqueue_dma source(%dma_start3A_664 : memref<200x64xf32, #tpu.memory_space<vmem>>) target(%dma_start3A_660 : memref<200x64xf32, #tpu.memory_space<hbm>>) target_semaphore(%dma_start3A_658 : memref<!tpu.dma_semaphore, #tpu.memory_space<semaphore_mem>>)
      %lt3A_665 = arith.constant 63 : i32
      %lt3A_666 = arith.cmpi slt, %scan3A_268, %lt3A_665 : i32
      %convert_element_type3A_667 = arith.extui %lt3A_666 : i1 to i32
      %cond3A_668 = arith.constant 0 : i32
      %cond3A_669 = arith.cmpi ne, %convert_element_type3A_667, %cond3A_668 : i32
      scf.if %cond3A_669 {
        %add3A_875 = arith.constant 8 : i32
        %add3A_876 = arith.addi %mul3A_270, %add3A_875 : i32
        %add3A_877 = arith.constant 2 : i32
        %add3A_878 = arith.addi %add3A_876, %add3A_877 : i32
        %mul3A_879 = arith.constant 200 : i32
        %mul3A_880 = arith.muli %add3A_878, %mul3A_879 : i32
        %add3A_881 = arith.addi %mul3A_2, %mul3A_880 : i32
        %multiple_of3A_882 = tpu.assume_multiple %add3A_881, 8 : i32
        %dma_start3A_883 = arith.constant 2 : i32
        %dma_start3A_884 = arith.constant 2 : i32
        %dma_start3A_885 = arith.constant 0 : i32
        %dma_start3A_886 = tpu.memref_slice %arg5[%dma_start3A_883, %dma_start3A_885] : memref<8x200xi32, #tpu.memory_space<vmem>> -> memref<1x200xi32, #tpu.memory_space<vmem>>
        %dma_start3A_887 = tpu.memref_squeeze %dma_start3A_886 : memref<1x200xi32, #tpu.memory_space<vmem>> -> memref<200xi32, #tpu.memory_space<vmem>>
        %dma_start3A_888 = tpu.memref_slice %arg2[%multiple_of3A_882] : memref<3276800xi32, #tpu.memory_space<hbm>> -> memref<200xi32, #tpu.memory_space<hbm>>
        %dma_start3A_889 = tpu.memref_slice %arg7[%dma_start3A_884] : memref<8x!tpu.dma_semaphore, #tpu.memory_space<semaphore_mem>> -> memref<1x!tpu.dma_semaphore, #tpu.memory_space<semaphore_mem>>
        %dma_start3A_890 = tpu.memref_squeeze %dma_start3A_889 : memref<1x!tpu.dma_semaphore, #tpu.memory_space<semaphore_mem>> -> memref<!tpu.dma_semaphore, #tpu.memory_space<semaphore_mem>>
        %dma_start3A_891 = arith.constant 0 : i32
        %dma_start3A_892 = tpu.memref_slice %arg5[%dma_start3A_883, %dma_start3A_891] : memref<8x200xi32, #tpu.memory_space<vmem>> -> memref<1x200xi32, #tpu.memory_space<vmem>>
        %dma_start3A_893 = tpu.memref_squeeze %dma_start3A_892 : memref<1x200xi32, #tpu.memory_space<vmem>> -> memref<200xi32, #tpu.memory_space<vmem>>
        %dma_start3A_894 = tpu.memref_slice %arg2[%multiple_of3A_882] : memref<3276800xi32, #tpu.memory_space<hbm>> -> memref<200xi32, #tpu.memory_space<hbm>>
        tpu.enqueue_dma source(%dma_start3A_894 : memref<200xi32, #tpu.memory_space<hbm>>) target(%dma_start3A_893 : memref<200xi32, #tpu.memory_space<vmem>>) target_semaphore(%dma_start3A_890 : memref<!tpu.dma_semaphore, #tpu.memory_space<semaphore_mem>>)
      } else {
      }
      %dma_wait3A_670 = arith.constant 3 : i32
      %dma_wait3A_671 = arith.constant 3 : i32
      %dma_wait3A_672 = arith.constant 3 : i32
      %dma_wait3A_673 = arith.constant 0 : i32
      %dma_wait3A_674 = arith.constant 0 : i32
      %dma_wait3A_675 = tpu.memref_slice %arg6[%dma_wait3A_671, %dma_wait3A_673, %dma_wait3A_674] : memref<8x200x64xf32, #tpu.memory_space<vmem>> -> memref<1x200x64xf32, #tpu.memory_space<vmem>>
      %dma_wait3A_676 = tpu.memref_squeeze %dma_wait3A_675 : memref<1x200x64xf32, #tpu.memory_space<vmem>> -> memref<200x64xf32, #tpu.memory_space<vmem>>
      %dma_wait3A_677 = arith.constant 0 : i32
      %dma_wait3A_678 = tpu.memref_slice %arg5[%dma_wait3A_670, %dma_wait3A_677] : memref<8x200xi32, #tpu.memory_space<vmem>> -> memref<1x200xi32, #tpu.memory_space<vmem>>
      %dma_wait3A_679 = tpu.memref_squeeze %dma_wait3A_678 : memref<1x200xi32, #tpu.memory_space<vmem>> -> memref<200xi32, #tpu.memory_space<vmem>>
      %dma_wait3A_680 = arith.constant 0 : i32
      %dma_wait3A_681 = arith.constant 0 : i32
      %dma_wait3A_682 = tpu.memref_slice %arg3[%dma_wait3A_680, %dma_wait3A_681] : memref<100000x64xf32, #tpu.memory_space<hbm>> -> memref<100000x64xf32, #tpu.memory_space<hbm>>
      %dma_wait3A_683 = tpu.memref_slice %arg8[%dma_wait3A_672] : memref<8x!tpu.dma_semaphore, #tpu.memory_space<semaphore_mem>> -> memref<1x!tpu.dma_semaphore, #tpu.memory_space<semaphore_mem>>
      %dma_wait3A_684 = tpu.memref_squeeze %dma_wait3A_683 : memref<1x!tpu.dma_semaphore, #tpu.memory_space<semaphore_mem>> -> memref<!tpu.dma_semaphore, #tpu.memory_space<semaphore_mem>>
      tpu.wait_indirect_dma semaphore(%dma_wait3A_684 : memref<!tpu.dma_semaphore, #tpu.memory_space<semaphore_mem>>) src(%dma_wait3A_682 : memref<100000x64xf32, #tpu.memory_space<hbm>>) dst(%dma_wait3A_676 : memref<200x64xf32, #tpu.memory_space<vmem>>)
      %add3A_685 = arith.constant 3 : i32
      %add3A_686 = arith.addi %mul3A_270, %add3A_685 : i32
      %mul3A_687 = arith.constant 200 : i32
      %mul3A_688 = arith.muli %add3A_686, %mul3A_687 : i32
      %add3A_689 = arith.addi %mul3A_2, %mul3A_688 : i32
      %dma_start3A_690 = arith.constant 3 : i32
      %dma_start3A_691 = arith.constant 3 : i32
      %dma_start3A_692 = arith.constant 0 : i32
      %dma_start3A_693 = arith.constant 0 : i32
      %dma_start3A_694 = tpu.memref_slice %arg6[%dma_start3A_690, %dma_start3A_692, %dma_start3A_693] : memref<8x200x64xf32, #tpu.memory_space<vmem>> -> memref<1x200x64xf32, #tpu.memory_space<vmem>>
      %dma_start3A_695 = tpu.memref_squeeze %dma_start3A_694 : memref<1x200x64xf32, #tpu.memory_space<vmem>> -> memref<200x64xf32, #tpu.memory_space<vmem>>
      %dma_start3A_696 = arith.constant 0 : i32
      %dma_start3A_697 = tpu.memref_slice %arg4[%add3A_689, %dma_start3A_696] : memref<3276800x64xf32, #tpu.memory_space<hbm>> -> memref<200x64xf32, #tpu.memory_space<hbm>>
      %dma_start3A_698 = tpu.memref_slice %arg9[%dma_start3A_691] : memref<8x!tpu.dma_semaphore, #tpu.memory_space<semaphore_mem>> -> memref<1x!tpu.dma_semaphore, #tpu.memory_space<semaphore_mem>>
      %dma_start3A_699 = tpu.memref_squeeze %dma_start3A_698 : memref<1x!tpu.dma_semaphore, #tpu.memory_space<semaphore_mem>> -> memref<!tpu.dma_semaphore, #tpu.memory_space<semaphore_mem>>
      %dma_start3A_700 = arith.constant 0 : i32
      %dma_start3A_701 = tpu.memref_slice %arg4[%add3A_689, %dma_start3A_700] : memref<3276800x64xf32, #tpu.memory_space<hbm>> -> memref<200x64xf32, #tpu.memory_space<hbm>>
      %dma_start3A_702 = arith.constant 0 : i32
      %dma_start3A_703 = arith.constant 0 : i32
      %dma_start3A_704 = tpu.memref_slice %arg6[%dma_start3A_690, %dma_start3A_702, %dma_start3A_703] : memref<8x200x64xf32, #tpu.memory_space<vmem>> -> memref<1x200x64xf32, #tpu.memory_space<vmem>>
      %dma_start3A_705 = tpu.memref_squeeze %dma_start3A_704 : memref<1x200x64xf32, #tpu.memory_space<vmem>> -> memref<200x64xf32, #tpu.memory_space<vmem>>
      tpu.enqueue_dma source(%dma_start3A_705 : memref<200x64xf32, #tpu.memory_space<vmem>>) target(%dma_start3A_701 : memref<200x64xf32, #tpu.memory_space<hbm>>) target_semaphore(%dma_start3A_699 : memref<!tpu.dma_semaphore, #tpu.memory_space<semaphore_mem>>)
      %lt3A_706 = arith.constant 63 : i32
      %lt3A_707 = arith.cmpi slt, %scan3A_268, %lt3A_706 : i32
      %convert_element_type3A_708 = arith.extui %lt3A_707 : i1 to i32
      %cond3A_709 = arith.constant 0 : i32
      %cond3A_710 = arith.cmpi ne, %convert_element_type3A_708, %cond3A_709 : i32
      scf.if %cond3A_710 {
        %add3A_875 = arith.constant 8 : i32
        %add3A_876 = arith.addi %mul3A_270, %add3A_875 : i32
        %add3A_877 = arith.constant 3 : i32
        %add3A_878 = arith.addi %add3A_876, %add3A_877 : i32
        %mul3A_879 = arith.constant 200 : i32
        %mul3A_880 = arith.muli %add3A_878, %mul3A_879 : i32
        %add3A_881 = arith.addi %mul3A_2, %mul3A_880 : i32
        %multiple_of3A_882 = tpu.assume_multiple %add3A_881, 8 : i32
        %dma_start3A_883 = arith.constant 3 : i32
        %dma_start3A_884 = arith.constant 3 : i32
        %dma_start3A_885 = arith.constant 0 : i32
        %dma_start3A_886 = tpu.memref_slice %arg5[%dma_start3A_883, %dma_start3A_885] : memref<8x200xi32, #tpu.memory_space<vmem>> -> memref<1x200xi32, #tpu.memory_space<vmem>>
        %dma_start3A_887 = tpu.memref_squeeze %dma_start3A_886 : memref<1x200xi32, #tpu.memory_space<vmem>> -> memref<200xi32, #tpu.memory_space<vmem>>
        %dma_start3A_888 = tpu.memref_slice %arg2[%multiple_of3A_882] : memref<3276800xi32, #tpu.memory_space<hbm>> -> memref<200xi32, #tpu.memory_space<hbm>>
        %dma_start3A_889 = tpu.memref_slice %arg7[%dma_start3A_884] : memref<8x!tpu.dma_semaphore, #tpu.memory_space<semaphore_mem>> -> memref<1x!tpu.dma_semaphore, #tpu.memory_space<semaphore_mem>>
        %dma_start3A_890 = tpu.memref_squeeze %dma_start3A_889 : memref<1x!tpu.dma_semaphore, #tpu.memory_space<semaphore_mem>> -> memref<!tpu.dma_semaphore, #tpu.memory_space<semaphore_mem>>
        %dma_start3A_891 = arith.constant 0 : i32
        %dma_start3A_892 = tpu.memref_slice %arg5[%dma_start3A_883, %dma_start3A_891] : memref<8x200xi32, #tpu.memory_space<vmem>> -> memref<1x200xi32, #tpu.memory_space<vmem>>
        %dma_start3A_893 = tpu.memref_squeeze %dma_start3A_892 : memref<1x200xi32, #tpu.memory_space<vmem>> -> memref<200xi32, #tpu.memory_space<vmem>>
        %dma_start3A_894 = tpu.memref_slice %arg2[%multiple_of3A_882] : memref<3276800xi32, #tpu.memory_space<hbm>> -> memref<200xi32, #tpu.memory_space<hbm>>
        tpu.enqueue_dma source(%dma_start3A_894 : memref<200xi32, #tpu.memory_space<hbm>>) target(%dma_start3A_893 : memref<200xi32, #tpu.memory_space<vmem>>) target_semaphore(%dma_start3A_890 : memref<!tpu.dma_semaphore, #tpu.memory_space<semaphore_mem>>)
      } else {
      }
      %dma_wait3A_711 = arith.constant 4 : i32
      %dma_wait3A_712 = arith.constant 4 : i32
      %dma_wait3A_713 = arith.constant 4 : i32
      %dma_wait3A_714 = arith.constant 0 : i32
      %dma_wait3A_715 = arith.constant 0 : i32
      %dma_wait3A_716 = tpu.memref_slice %arg6[%dma_wait3A_712, %dma_wait3A_714, %dma_wait3A_715] : memref<8x200x64xf32, #tpu.memory_space<vmem>> -> memref<1x200x64xf32, #tpu.memory_space<vmem>>
      %dma_wait3A_717 = tpu.memref_squeeze %dma_wait3A_716 : memref<1x200x64xf32, #tpu.memory_space<vmem>> -> memref<200x64xf32, #tpu.memory_space<vmem>>
      %dma_wait3A_718 = arith.constant 0 : i32
      %dma_wait3A_719 = tpu.memref_slice %arg5[%dma_wait3A_711, %dma_wait3A_718] : memref<8x200xi32, #tpu.memory_space<vmem>> -> memref<1x200xi32, #tpu.memory_space<vmem>>
      %dma_wait3A_720 = tpu.memref_squeeze %dma_wait3A_719 : memref<1x200xi32, #tpu.memory_space<vmem>> -> memref<200xi32, #tpu.memory_space<vmem>>
      %dma_wait3A_721 = arith.constant 0 : i32
      %dma_wait3A_722 = arith.constant 0 : i32
      %dma_wait3A_723 = tpu.memref_slice %arg3[%dma_wait3A_721, %dma_wait3A_722] : memref<100000x64xf32, #tpu.memory_space<hbm>> -> memref<100000x64xf32, #tpu.memory_space<hbm>>
      %dma_wait3A_724 = tpu.memref_slice %arg8[%dma_wait3A_713] : memref<8x!tpu.dma_semaphore, #tpu.memory_space<semaphore_mem>> -> memref<1x!tpu.dma_semaphore, #tpu.memory_space<semaphore_mem>>
      %dma_wait3A_725 = tpu.memref_squeeze %dma_wait3A_724 : memref<1x!tpu.dma_semaphore, #tpu.memory_space<semaphore_mem>> -> memref<!tpu.dma_semaphore, #tpu.memory_space<semaphore_mem>>
      tpu.wait_indirect_dma semaphore(%dma_wait3A_725 : memref<!tpu.dma_semaphore, #tpu.memory_space<semaphore_mem>>) src(%dma_wait3A_723 : memref<100000x64xf32, #tpu.memory_space<hbm>>) dst(%dma_wait3A_717 : memref<200x64xf32, #tpu.memory_space<vmem>>)
      %add3A_726 = arith.constant 4 : i32
      %add3A_727 = arith.addi %mul3A_270, %add3A_726 : i32
      %mul3A_728 = arith.constant 200 : i32
      %mul3A_729 = arith.muli %add3A_727, %mul3A_728 : i32
      %add3A_730 = arith.addi %mul3A_2, %mul3A_729 : i32
      %dma_start3A_731 = arith.constant 4 : i32
      %dma_start3A_732 = arith.constant 4 : i32
      %dma_start3A_733 = arith.constant 0 : i32
      %dma_start3A_734 = arith.constant 0 : i32
      %dma_start3A_735 = tpu.memref_slice %arg6[%dma_start3A_731, %dma_start3A_733, %dma_start3A_734] : memref<8x200x64xf32, #tpu.memory_space<vmem>> -> memref<1x200x64xf32, #tpu.memory_space<vmem>>
      %dma_start3A_736 = tpu.memref_squeeze %dma_start3A_735 : memref<1x200x64xf32, #tpu.memory_space<vmem>> -> memref<200x64xf32, #tpu.memory_space<vmem>>
      %dma_start3A_737 = arith.constant 0 : i32
      %dma_start3A_738 = tpu.memref_slice %arg4[%add3A_730, %dma_start3A_737] : memref<3276800x64xf32, #tpu.memory_space<hbm>> -> memref<200x64xf32, #tpu.memory_space<hbm>>
      %dma_start3A_739 = tpu.memref_slice %arg9[%dma_start3A_732] : memref<8x!tpu.dma_semaphore, #tpu.memory_space<semaphore_mem>> -> memref<1x!tpu.dma_semaphore, #tpu.memory_space<semaphore_mem>>
      %dma_start3A_740 = tpu.memref_squeeze %dma_start3A_739 : memref<1x!tpu.dma_semaphore, #tpu.memory_space<semaphore_mem>> -> memref<!tpu.dma_semaphore, #tpu.memory_space<semaphore_mem>>
      %dma_start3A_741 = arith.constant 0 : i32
      %dma_start3A_742 = tpu.memref_slice %arg4[%add3A_730, %dma_start3A_741] : memref<3276800x64xf32, #tpu.memory_space<hbm>> -> memref<200x64xf32, #tpu.memory_space<hbm>>
      %dma_start3A_743 = arith.constant 0 : i32
      %dma_start3A_744 = arith.constant 0 : i32
      %dma_start3A_745 = tpu.memref_slice %arg6[%dma_start3A_731, %dma_start3A_743, %dma_start3A_744] : memref<8x200x64xf32, #tpu.memory_space<vmem>> -> memref<1x200x64xf32, #tpu.memory_space<vmem>>
      %dma_start3A_746 = tpu.memref_squeeze %dma_start3A_745 : memref<1x200x64xf32, #tpu.memory_space<vmem>> -> memref<200x64xf32, #tpu.memory_space<vmem>>
      tpu.enqueue_dma source(%dma_start3A_746 : memref<200x64xf32, #tpu.memory_space<vmem>>) target(%dma_start3A_742 : memref<200x64xf32, #tpu.memory_space<hbm>>) target_semaphore(%dma_start3A_740 : memref<!tpu.dma_semaphore, #tpu.memory_space<semaphore_mem>>)
      %lt3A_747 = arith.constant 63 : i32
      %lt3A_748 = arith.cmpi slt, %scan3A_268, %lt3A_747 : i32
      %convert_element_type3A_749 = arith.extui %lt3A_748 : i1 to i32
      %cond3A_750 = arith.constant 0 : i32
      %cond3A_751 = arith.cmpi ne, %convert_element_type3A_749, %cond3A_750 : i32
      scf.if %cond3A_751 {
        %add3A_875 = arith.constant 8 : i32
        %add3A_876 = arith.addi %mul3A_270, %add3A_875 : i32
        %add3A_877 = arith.constant 4 : i32
        %add3A_878 = arith.addi %add3A_876, %add3A_877 : i32
        %mul3A_879 = arith.constant 200 : i32
        %mul3A_880 = arith.muli %add3A_878, %mul3A_879 : i32
        %add3A_881 = arith.addi %mul3A_2, %mul3A_880 : i32
        %multiple_of3A_882 = tpu.assume_multiple %add3A_881, 8 : i32
        %dma_start3A_883 = arith.constant 4 : i32
        %dma_start3A_884 = arith.constant 4 : i32
        %dma_start3A_885 = arith.constant 0 : i32
        %dma_start3A_886 = tpu.memref_slice %arg5[%dma_start3A_883, %dma_start3A_885] : memref<8x200xi32, #tpu.memory_space<vmem>> -> memref<1x200xi32, #tpu.memory_space<vmem>>
        %dma_start3A_887 = tpu.memref_squeeze %dma_start3A_886 : memref<1x200xi32, #tpu.memory_space<vmem>> -> memref<200xi32, #tpu.memory_space<vmem>>
        %dma_start3A_888 = tpu.memref_slice %arg2[%multiple_of3A_882] : memref<3276800xi32, #tpu.memory_space<hbm>> -> memref<200xi32, #tpu.memory_space<hbm>>
        %dma_start3A_889 = tpu.memref_slice %arg7[%dma_start3A_884] : memref<8x!tpu.dma_semaphore, #tpu.memory_space<semaphore_mem>> -> memref<1x!tpu.dma_semaphore, #tpu.memory_space<semaphore_mem>>
        %dma_start3A_890 = tpu.memref_squeeze %dma_start3A_889 : memref<1x!tpu.dma_semaphore, #tpu.memory_space<semaphore_mem>> -> memref<!tpu.dma_semaphore, #tpu.memory_space<semaphore_mem>>
        %dma_start3A_891 = arith.constant 0 : i32
        %dma_start3A_892 = tpu.memref_slice %arg5[%dma_start3A_883, %dma_start3A_891] : memref<8x200xi32, #tpu.memory_space<vmem>> -> memref<1x200xi32, #tpu.memory_space<vmem>>
        %dma_start3A_893 = tpu.memref_squeeze %dma_start3A_892 : memref<1x200xi32, #tpu.memory_space<vmem>> -> memref<200xi32, #tpu.memory_space<vmem>>
        %dma_start3A_894 = tpu.memref_slice %arg2[%multiple_of3A_882] : memref<3276800xi32, #tpu.memory_space<hbm>> -> memref<200xi32, #tpu.memory_space<hbm>>
        tpu.enqueue_dma source(%dma_start3A_894 : memref<200xi32, #tpu.memory_space<hbm>>) target(%dma_start3A_893 : memref<200xi32, #tpu.memory_space<vmem>>) target_semaphore(%dma_start3A_890 : memref<!tpu.dma_semaphore, #tpu.memory_space<semaphore_mem>>)
      } else {
      }
      %dma_wait3A_752 = arith.constant 5 : i32
      %dma_wait3A_753 = arith.constant 5 : i32
      %dma_wait3A_754 = arith.constant 5 : i32
      %dma_wait3A_755 = arith.constant 0 : i32
      %dma_wait3A_756 = arith.constant 0 : i32
      %dma_wait3A_757 = tpu.memref_slice %arg6[%dma_wait3A_753, %dma_wait3A_755, %dma_wait3A_756] : memref<8x200x64xf32, #tpu.memory_space<vmem>> -> memref<1x200x64xf32, #tpu.memory_space<vmem>>
      %dma_wait3A_758 = tpu.memref_squeeze %dma_wait3A_757 : memref<1x200x64xf32, #tpu.memory_space<vmem>> -> memref<200x64xf32, #tpu.memory_space<vmem>>
      %dma_wait3A_759 = arith.constant 0 : i32
      %dma_wait3A_760 = tpu.memref_slice %arg5[%dma_wait3A_752, %dma_wait3A_759] : memref<8x200xi32, #tpu.memory_space<vmem>> -> memref<1x200xi32, #tpu.memory_space<vmem>>
      %dma_wait3A_761 = tpu.memref_squeeze %dma_wait3A_760 : memref<1x200xi32, #tpu.memory_space<vmem>> -> memref<200xi32, #tpu.memory_space<vmem>>
      %dma_wait3A_762 = arith.constant 0 : i32
      %dma_wait3A_763 = arith.constant 0 : i32
      %dma_wait3A_764 = tpu.memref_slice %arg3[%dma_wait3A_762, %dma_wait3A_763] : memref<100000x64xf32, #tpu.memory_space<hbm>> -> memref<100000x64xf32, #tpu.memory_space<hbm>>
      %dma_wait3A_765 = tpu.memref_slice %arg8[%dma_wait3A_754] : memref<8x!tpu.dma_semaphore, #tpu.memory_space<semaphore_mem>> -> memref<1x!tpu.dma_semaphore, #tpu.memory_space<semaphore_mem>>
      %dma_wait3A_766 = tpu.memref_squeeze %dma_wait3A_765 : memref<1x!tpu.dma_semaphore, #tpu.memory_space<semaphore_mem>> -> memref<!tpu.dma_semaphore, #tpu.memory_space<semaphore_mem>>
      tpu.wait_indirect_dma semaphore(%dma_wait3A_766 : memref<!tpu.dma_semaphore, #tpu.memory_space<semaphore_mem>>) src(%dma_wait3A_764 : memref<100000x64xf32, #tpu.memory_space<hbm>>) dst(%dma_wait3A_758 : memref<200x64xf32, #tpu.memory_space<vmem>>)
      %add3A_767 = arith.constant 5 : i32
      %add3A_768 = arith.addi %mul3A_270, %add3A_767 : i32
      %mul3A_769 = arith.constant 200 : i32
      %mul3A_770 = arith.muli %add3A_768, %mul3A_769 : i32
      %add3A_771 = arith.addi %mul3A_2, %mul3A_770 : i32
      %dma_start3A_772 = arith.constant 5 : i32
      %dma_start3A_773 = arith.constant 5 : i32
      %dma_start3A_774 = arith.constant 0 : i32
      %dma_start3A_775 = arith.constant 0 : i32
      %dma_start3A_776 = tpu.memref_slice %arg6[%dma_start3A_772, %dma_start3A_774, %dma_start3A_775] : memref<8x200x64xf32, #tpu.memory_space<vmem>> -> memref<1x200x64xf32, #tpu.memory_space<vmem>>
      %dma_start3A_777 = tpu.memref_squeeze %dma_start3A_776 : memref<1x200x64xf32, #tpu.memory_space<vmem>> -> memref<200x64xf32, #tpu.memory_space<vmem>>
      %dma_start3A_778 = arith.constant 0 : i32
      %dma_start3A_779 = tpu.memref_slice %arg4[%add3A_771, %dma_start3A_778] : memref<3276800x64xf32, #tpu.memory_space<hbm>> -> memref<200x64xf32, #tpu.memory_space<hbm>>
      %dma_start3A_780 = tpu.memref_slice %arg9[%dma_start3A_773] : memref<8x!tpu.dma_semaphore, #tpu.memory_space<semaphore_mem>> -> memref<1x!tpu.dma_semaphore, #tpu.memory_space<semaphore_mem>>
      %dma_start3A_781 = tpu.memref_squeeze %dma_start3A_780 : memref<1x!tpu.dma_semaphore, #tpu.memory_space<semaphore_mem>> -> memref<!tpu.dma_semaphore, #tpu.memory_space<semaphore_mem>>
      %dma_start3A_782 = arith.constant 0 : i32
      %dma_start3A_783 = tpu.memref_slice %arg4[%add3A_771, %dma_start3A_782] : memref<3276800x64xf32, #tpu.memory_space<hbm>> -> memref<200x64xf32, #tpu.memory_space<hbm>>
      %dma_start3A_784 = arith.constant 0 : i32
      %dma_start3A_785 = arith.constant 0 : i32
      %dma_start3A_786 = tpu.memref_slice %arg6[%dma_start3A_772, %dma_start3A_784, %dma_start3A_785] : memref<8x200x64xf32, #tpu.memory_space<vmem>> -> memref<1x200x64xf32, #tpu.memory_space<vmem>>
      %dma_start3A_787 = tpu.memref_squeeze %dma_start3A_786 : memref<1x200x64xf32, #tpu.memory_space<vmem>> -> memref<200x64xf32, #tpu.memory_space<vmem>>
      tpu.enqueue_dma source(%dma_start3A_787 : memref<200x64xf32, #tpu.memory_space<vmem>>) target(%dma_start3A_783 : memref<200x64xf32, #tpu.memory_space<hbm>>) target_semaphore(%dma_start3A_781 : memref<!tpu.dma_semaphore, #tpu.memory_space<semaphore_mem>>)
      %lt3A_788 = arith.constant 63 : i32
      %lt3A_789 = arith.cmpi slt, %scan3A_268, %lt3A_788 : i32
      %convert_element_type3A_790 = arith.extui %lt3A_789 : i1 to i32
      %cond3A_791 = arith.constant 0 : i32
      %cond3A_792 = arith.cmpi ne, %convert_element_type3A_790, %cond3A_791 : i32
      scf.if %cond3A_792 {
        %add3A_875 = arith.constant 8 : i32
        %add3A_876 = arith.addi %mul3A_270, %add3A_875 : i32
        %add3A_877 = arith.constant 5 : i32
        %add3A_878 = arith.addi %add3A_876, %add3A_877 : i32
        %mul3A_879 = arith.constant 200 : i32
        %mul3A_880 = arith.muli %add3A_878, %mul3A_879 : i32
        %add3A_881 = arith.addi %mul3A_2, %mul3A_880 : i32
        %multiple_of3A_882 = tpu.assume_multiple %add3A_881, 8 : i32
        %dma_start3A_883 = arith.constant 5 : i32
        %dma_start3A_884 = arith.constant 5 : i32
        %dma_start3A_885 = arith.constant 0 : i32
        %dma_start3A_886 = tpu.memref_slice %arg5[%dma_start3A_883, %dma_start3A_885] : memref<8x200xi32, #tpu.memory_space<vmem>> -> memref<1x200xi32, #tpu.memory_space<vmem>>
        %dma_start3A_887 = tpu.memref_squeeze %dma_start3A_886 : memref<1x200xi32, #tpu.memory_space<vmem>> -> memref<200xi32, #tpu.memory_space<vmem>>
        %dma_start3A_888 = tpu.memref_slice %arg2[%multiple_of3A_882] : memref<3276800xi32, #tpu.memory_space<hbm>> -> memref<200xi32, #tpu.memory_space<hbm>>
        %dma_start3A_889 = tpu.memref_slice %arg7[%dma_start3A_884] : memref<8x!tpu.dma_semaphore, #tpu.memory_space<semaphore_mem>> -> memref<1x!tpu.dma_semaphore, #tpu.memory_space<semaphore_mem>>
        %dma_start3A_890 = tpu.memref_squeeze %dma_start3A_889 : memref<1x!tpu.dma_semaphore, #tpu.memory_space<semaphore_mem>> -> memref<!tpu.dma_semaphore, #tpu.memory_space<semaphore_mem>>
        %dma_start3A_891 = arith.constant 0 : i32
        %dma_start3A_892 = tpu.memref_slice %arg5[%dma_start3A_883, %dma_start3A_891] : memref<8x200xi32, #tpu.memory_space<vmem>> -> memref<1x200xi32, #tpu.memory_space<vmem>>
        %dma_start3A_893 = tpu.memref_squeeze %dma_start3A_892 : memref<1x200xi32, #tpu.memory_space<vmem>> -> memref<200xi32, #tpu.memory_space<vmem>>
        %dma_start3A_894 = tpu.memref_slice %arg2[%multiple_of3A_882] : memref<3276800xi32, #tpu.memory_space<hbm>> -> memref<200xi32, #tpu.memory_space<hbm>>
        tpu.enqueue_dma source(%dma_start3A_894 : memref<200xi32, #tpu.memory_space<hbm>>) target(%dma_start3A_893 : memref<200xi32, #tpu.memory_space<vmem>>) target_semaphore(%dma_start3A_890 : memref<!tpu.dma_semaphore, #tpu.memory_space<semaphore_mem>>)
      } else {
      }
      %dma_wait3A_793 = arith.constant 6 : i32
      %dma_wait3A_794 = arith.constant 6 : i32
      %dma_wait3A_795 = arith.constant 6 : i32
      %dma_wait3A_796 = arith.constant 0 : i32
      %dma_wait3A_797 = arith.constant 0 : i32
      %dma_wait3A_798 = tpu.memref_slice %arg6[%dma_wait3A_794, %dma_wait3A_796, %dma_wait3A_797] : memref<8x200x64xf32, #tpu.memory_space<vmem>> -> memref<1x200x64xf32, #tpu.memory_space<vmem>>
      %dma_wait3A_799 = tpu.memref_squeeze %dma_wait3A_798 : memref<1x200x64xf32, #tpu.memory_space<vmem>> -> memref<200x64xf32, #tpu.memory_space<vmem>>
      %dma_wait3A_800 = arith.constant 0 : i32
      %dma_wait3A_801 = tpu.memref_slice %arg5[%dma_wait3A_793, %dma_wait3A_800] : memref<8x200xi32, #tpu.memory_space<vmem>> -> memref<1x200xi32, #tpu.memory_space<vmem>>
      %dma_wait3A_802 = tpu.memref_squeeze %dma_wait3A_801 : memref<1x200xi32, #tpu.memory_space<vmem>> -> memref<200xi32, #tpu.memory_space<vmem>>
      %dma_wait3A_803 = arith.constant 0 : i32
      %dma_wait3A_804 = arith.constant 0 : i32
      %dma_wait3A_805 = tpu.memref_slice %arg3[%dma_wait3A_803, %dma_wait3A_804] : memref<100000x64xf32, #tpu.memory_space<hbm>> -> memref<100000x64xf32, #tpu.memory_space<hbm>>
      %dma_wait3A_806 = tpu.memref_slice %arg8[%dma_wait3A_795] : memref<8x!tpu.dma_semaphore, #tpu.memory_space<semaphore_mem>> -> memref<1x!tpu.dma_semaphore, #tpu.memory_space<semaphore_mem>>
      %dma_wait3A_807 = tpu.memref_squeeze %dma_wait3A_806 : memref<1x!tpu.dma_semaphore, #tpu.memory_space<semaphore_mem>> -> memref<!tpu.dma_semaphore, #tpu.memory_space<semaphore_mem>>
      tpu.wait_indirect_dma semaphore(%dma_wait3A_807 : memref<!tpu.dma_semaphore, #tpu.memory_space<semaphore_mem>>) src(%dma_wait3A_805 : memref<100000x64xf32, #tpu.memory_space<hbm>>) dst(%dma_wait3A_799 : memref<200x64xf32, #tpu.memory_space<vmem>>)
      %add3A_808 = arith.constant 6 : i32
      %add3A_809 = arith.addi %mul3A_270, %add3A_808 : i32
      %mul3A_810 = arith.constant 200 : i32
      %mul3A_811 = arith.muli %add3A_809, %mul3A_810 : i32
      %add3A_812 = arith.addi %mul3A_2, %mul3A_811 : i32
      %dma_start3A_813 = arith.constant 6 : i32
      %dma_start3A_814 = arith.constant 6 : i32
      %dma_start3A_815 = arith.constant 0 : i32
      %dma_start3A_816 = arith.constant 0 : i32
      %dma_start3A_817 = tpu.memref_slice %arg6[%dma_start3A_813, %dma_start3A_815, %dma_start3A_816] : memref<8x200x64xf32, #tpu.memory_space<vmem>> -> memref<1x200x64xf32, #tpu.memory_space<vmem>>
      %dma_start3A_818 = tpu.memref_squeeze %dma_start3A_817 : memref<1x200x64xf32, #tpu.memory_space<vmem>> -> memref<200x64xf32, #tpu.memory_space<vmem>>
      %dma_start3A_819 = arith.constant 0 : i32
      %dma_start3A_820 = tpu.memref_slice %arg4[%add3A_812, %dma_start3A_819] : memref<3276800x64xf32, #tpu.memory_space<hbm>> -> memref<200x64xf32, #tpu.memory_space<hbm>>
      %dma_start3A_821 = tpu.memref_slice %arg9[%dma_start3A_814] : memref<8x!tpu.dma_semaphore, #tpu.memory_space<semaphore_mem>> -> memref<1x!tpu.dma_semaphore, #tpu.memory_space<semaphore_mem>>
      %dma_start3A_822 = tpu.memref_squeeze %dma_start3A_821 : memref<1x!tpu.dma_semaphore, #tpu.memory_space<semaphore_mem>> -> memref<!tpu.dma_semaphore, #tpu.memory_space<semaphore_mem>>
      %dma_start3A_823 = arith.constant 0 : i32
      %dma_start3A_824 = tpu.memref_slice %arg4[%add3A_812, %dma_start3A_823] : memref<3276800x64xf32, #tpu.memory_space<hbm>> -> memref<200x64xf32, #tpu.memory_space<hbm>>
      %dma_start3A_825 = arith.constant 0 : i32
      %dma_start3A_826 = arith.constant 0 : i32
      %dma_start3A_827 = tpu.memref_slice %arg6[%dma_start3A_813, %dma_start3A_825, %dma_start3A_826] : memref<8x200x64xf32, #tpu.memory_space<vmem>> -> memref<1x200x64xf32, #tpu.memory_space<vmem>>
      %dma_start3A_828 = tpu.memref_squeeze %dma_start3A_827 : memref<1x200x64xf32, #tpu.memory_space<vmem>> -> memref<200x64xf32, #tpu.memory_space<vmem>>
      tpu.enqueue_dma source(%dma_start3A_828 : memref<200x64xf32, #tpu.memory_space<vmem>>) target(%dma_start3A_824 : memref<200x64xf32, #tpu.memory_space<hbm>>) target_semaphore(%dma_start3A_822 : memref<!tpu.dma_semaphore, #tpu.memory_space<semaphore_mem>>)
      %lt3A_829 = arith.constant 63 : i32
      %lt3A_830 = arith.cmpi slt, %scan3A_268, %lt3A_829 : i32
      %convert_element_type3A_831 = arith.extui %lt3A_830 : i1 to i32
      %cond3A_832 = arith.constant 0 : i32
      %cond3A_833 = arith.cmpi ne, %convert_element_type3A_831, %cond3A_832 : i32
      scf.if %cond3A_833 {
        %add3A_875 = arith.constant 8 : i32
        %add3A_876 = arith.addi %mul3A_270, %add3A_875 : i32
        %add3A_877 = arith.constant 6 : i32
        %add3A_878 = arith.addi %add3A_876, %add3A_877 : i32
        %mul3A_879 = arith.constant 200 : i32
        %mul3A_880 = arith.muli %add3A_878, %mul3A_879 : i32
        %add3A_881 = arith.addi %mul3A_2, %mul3A_880 : i32
        %multiple_of3A_882 = tpu.assume_multiple %add3A_881, 8 : i32
        %dma_start3A_883 = arith.constant 6 : i32
        %dma_start3A_884 = arith.constant 6 : i32
        %dma_start3A_885 = arith.constant 0 : i32
        %dma_start3A_886 = tpu.memref_slice %arg5[%dma_start3A_883, %dma_start3A_885] : memref<8x200xi32, #tpu.memory_space<vmem>> -> memref<1x200xi32, #tpu.memory_space<vmem>>
        %dma_start3A_887 = tpu.memref_squeeze %dma_start3A_886 : memref<1x200xi32, #tpu.memory_space<vmem>> -> memref<200xi32, #tpu.memory_space<vmem>>
        %dma_start3A_888 = tpu.memref_slice %arg2[%multiple_of3A_882] : memref<3276800xi32, #tpu.memory_space<hbm>> -> memref<200xi32, #tpu.memory_space<hbm>>
        %dma_start3A_889 = tpu.memref_slice %arg7[%dma_start3A_884] : memref<8x!tpu.dma_semaphore, #tpu.memory_space<semaphore_mem>> -> memref<1x!tpu.dma_semaphore, #tpu.memory_space<semaphore_mem>>
        %dma_start3A_890 = tpu.memref_squeeze %dma_start3A_889 : memref<1x!tpu.dma_semaphore, #tpu.memory_space<semaphore_mem>> -> memref<!tpu.dma_semaphore, #tpu.memory_space<semaphore_mem>>
        %dma_start3A_891 = arith.constant 0 : i32
        %dma_start3A_892 = tpu.memref_slice %arg5[%dma_start3A_883, %dma_start3A_891] : memref<8x200xi32, #tpu.memory_space<vmem>> -> memref<1x200xi32, #tpu.memory_space<vmem>>
        %dma_start3A_893 = tpu.memref_squeeze %dma_start3A_892 : memref<1x200xi32, #tpu.memory_space<vmem>> -> memref<200xi32, #tpu.memory_space<vmem>>
        %dma_start3A_894 = tpu.memref_slice %arg2[%multiple_of3A_882] : memref<3276800xi32, #tpu.memory_space<hbm>> -> memref<200xi32, #tpu.memory_space<hbm>>
        tpu.enqueue_dma source(%dma_start3A_894 : memref<200xi32, #tpu.memory_space<hbm>>) target(%dma_start3A_893 : memref<200xi32, #tpu.memory_space<vmem>>) target_semaphore(%dma_start3A_890 : memref<!tpu.dma_semaphore, #tpu.memory_space<semaphore_mem>>)
      } else {
      }
      %dma_wait3A_834 = arith.constant 7 : i32
      %dma_wait3A_835 = arith.constant 7 : i32
      %dma_wait3A_836 = arith.constant 7 : i32
      %dma_wait3A_837 = arith.constant 0 : i32
      %dma_wait3A_838 = arith.constant 0 : i32
      %dma_wait3A_839 = tpu.memref_slice %arg6[%dma_wait3A_835, %dma_wait3A_837, %dma_wait3A_838] : memref<8x200x64xf32, #tpu.memory_space<vmem>> -> memref<1x200x64xf32, #tpu.memory_space<vmem>>
      %dma_wait3A_840 = tpu.memref_squeeze %dma_wait3A_839 : memref<1x200x64xf32, #tpu.memory_space<vmem>> -> memref<200x64xf32, #tpu.memory_space<vmem>>
      %dma_wait3A_841 = arith.constant 0 : i32
      %dma_wait3A_842 = tpu.memref_slice %arg5[%dma_wait3A_834, %dma_wait3A_841] : memref<8x200xi32, #tpu.memory_space<vmem>> -> memref<1x200xi32, #tpu.memory_space<vmem>>
      %dma_wait3A_843 = tpu.memref_squeeze %dma_wait3A_842 : memref<1x200xi32, #tpu.memory_space<vmem>> -> memref<200xi32, #tpu.memory_space<vmem>>
      %dma_wait3A_844 = arith.constant 0 : i32
      %dma_wait3A_845 = arith.constant 0 : i32
      %dma_wait3A_846 = tpu.memref_slice %arg3[%dma_wait3A_844, %dma_wait3A_845] : memref<100000x64xf32, #tpu.memory_space<hbm>> -> memref<100000x64xf32, #tpu.memory_space<hbm>>
      %dma_wait3A_847 = tpu.memref_slice %arg8[%dma_wait3A_836] : memref<8x!tpu.dma_semaphore, #tpu.memory_space<semaphore_mem>> -> memref<1x!tpu.dma_semaphore, #tpu.memory_space<semaphore_mem>>
      %dma_wait3A_848 = tpu.memref_squeeze %dma_wait3A_847 : memref<1x!tpu.dma_semaphore, #tpu.memory_space<semaphore_mem>> -> memref<!tpu.dma_semaphore, #tpu.memory_space<semaphore_mem>>
      tpu.wait_indirect_dma semaphore(%dma_wait3A_848 : memref<!tpu.dma_semaphore, #tpu.memory_space<semaphore_mem>>) src(%dma_wait3A_846 : memref<100000x64xf32, #tpu.memory_space<hbm>>) dst(%dma_wait3A_840 : memref<200x64xf32, #tpu.memory_space<vmem>>)
      %add3A_849 = arith.constant 7 : i32
      %add3A_850 = arith.addi %mul3A_270, %add3A_849 : i32
      %mul3A_851 = arith.constant 200 : i32
      %mul3A_852 = arith.muli %add3A_850, %mul3A_851 : i32
      %add3A_853 = arith.addi %mul3A_2, %mul3A_852 : i32
      %dma_start3A_854 = arith.constant 7 : i32
      %dma_start3A_855 = arith.constant 7 : i32
      %dma_start3A_856 = arith.constant 0 : i32
      %dma_start3A_857 = arith.constant 0 : i32
      %dma_start3A_858 = tpu.memref_slice %arg6[%dma_start3A_854, %dma_start3A_856, %dma_start3A_857] : memref<8x200x64xf32, #tpu.memory_space<vmem>> -> memref<1x200x64xf32, #tpu.memory_space<vmem>>
      %dma_start3A_859 = tpu.memref_squeeze %dma_start3A_858 : memref<1x200x64xf32, #tpu.memory_space<vmem>> -> memref<200x64xf32, #tpu.memory_space<vmem>>
      %dma_start3A_860 = arith.constant 0 : i32
      %dma_start3A_861 = tpu.memref_slice %arg4[%add3A_853, %dma_start3A_860] : memref<3276800x64xf32, #tpu.memory_space<hbm>> -> memref<200x64xf32, #tpu.memory_space<hbm>>
      %dma_start3A_862 = tpu.memref_slice %arg9[%dma_start3A_855] : memref<8x!tpu.dma_semaphore, #tpu.memory_space<semaphore_mem>> -> memref<1x!tpu.dma_semaphore, #tpu.memory_space<semaphore_mem>>
      %dma_start3A_863 = tpu.memref_squeeze %dma_start3A_862 : memref<1x!tpu.dma_semaphore, #tpu.memory_space<semaphore_mem>> -> memref<!tpu.dma_semaphore, #tpu.memory_space<semaphore_mem>>
      %dma_start3A_864 = arith.constant 0 : i32
      %dma_start3A_865 = tpu.memref_slice %arg4[%add3A_853, %dma_start3A_864] : memref<3276800x64xf32, #tpu.memory_space<hbm>> -> memref<200x64xf32, #tpu.memory_space<hbm>>
      %dma_start3A_866 = arith.constant 0 : i32
      %dma_start3A_867 = arith.constant 0 : i32
      %dma_start3A_868 = tpu.memref_slice %arg6[%dma_start3A_854, %dma_start3A_866, %dma_start3A_867] : memref<8x200x64xf32, #tpu.memory_space<vmem>> -> memref<1x200x64xf32, #tpu.memory_space<vmem>>
      %dma_start3A_869 = tpu.memref_squeeze %dma_start3A_868 : memref<1x200x64xf32, #tpu.memory_space<vmem>> -> memref<200x64xf32, #tpu.memory_space<vmem>>
      tpu.enqueue_dma source(%dma_start3A_869 : memref<200x64xf32, #tpu.memory_space<vmem>>) target(%dma_start3A_865 : memref<200x64xf32, #tpu.memory_space<hbm>>) target_semaphore(%dma_start3A_863 : memref<!tpu.dma_semaphore, #tpu.memory_space<semaphore_mem>>)
      %lt3A_870 = arith.constant 63 : i32
      %lt3A_871 = arith.cmpi slt, %scan3A_268, %lt3A_870 : i32
      %convert_element_type3A_872 = arith.extui %lt3A_871 : i1 to i32
      %cond3A_873 = arith.constant 0 : i32
      %cond3A_874 = arith.cmpi ne, %convert_element_type3A_872, %cond3A_873 : i32
      scf.if %cond3A_874 {
        %add3A_875 = arith.constant 8 : i32
        %add3A_876 = arith.addi %mul3A_270, %add3A_875 : i32
        %add3A_877 = arith.constant 7 : i32
        %add3A_878 = arith.addi %add3A_876, %add3A_877 : i32
        %mul3A_879 = arith.constant 200 : i32
        %mul3A_880 = arith.muli %add3A_878, %mul3A_879 : i32
        %add3A_881 = arith.addi %mul3A_2, %mul3A_880 : i32
        %multiple_of3A_882 = tpu.assume_multiple %add3A_881, 8 : i32
        %dma_start3A_883 = arith.constant 7 : i32
        %dma_start3A_884 = arith.constant 7 : i32
        %dma_start3A_885 = arith.constant 0 : i32
        %dma_start3A_886 = tpu.memref_slice %arg5[%dma_start3A_883, %dma_start3A_885] : memref<8x200xi32, #tpu.memory_space<vmem>> -> memref<1x200xi32, #tpu.memory_space<vmem>>
        %dma_start3A_887 = tpu.memref_squeeze %dma_start3A_886 : memref<1x200xi32, #tpu.memory_space<vmem>> -> memref<200xi32, #tpu.memory_space<vmem>>
        %dma_start3A_888 = tpu.memref_slice %arg2[%multiple_of3A_882] : memref<3276800xi32, #tpu.memory_space<hbm>> -> memref<200xi32, #tpu.memory_space<hbm>>
        %dma_start3A_889 = tpu.memref_slice %arg7[%dma_start3A_884] : memref<8x!tpu.dma_semaphore, #tpu.memory_space<semaphore_mem>> -> memref<1x!tpu.dma_semaphore, #tpu.memory_space<semaphore_mem>>
        %dma_start3A_890 = tpu.memref_squeeze %dma_start3A_889 : memref<1x!tpu.dma_semaphore, #tpu.memory_space<semaphore_mem>> -> memref<!tpu.dma_semaphore, #tpu.memory_space<semaphore_mem>>
        %dma_start3A_891 = arith.constant 0 : i32
        %dma_start3A_892 = tpu.memref_slice %arg5[%dma_start3A_883, %dma_start3A_891] : memref<8x200xi32, #tpu.memory_space<vmem>> -> memref<1x200xi32, #tpu.memory_space<vmem>>
        %dma_start3A_893 = tpu.memref_squeeze %dma_start3A_892 : memref<1x200xi32, #tpu.memory_space<vmem>> -> memref<200xi32, #tpu.memory_space<vmem>>
        %dma_start3A_894 = tpu.memref_slice %arg2[%multiple_of3A_882] : memref<3276800xi32, #tpu.memory_space<hbm>> -> memref<200xi32, #tpu.memory_space<hbm>>
        tpu.enqueue_dma source(%dma_start3A_894 : memref<200xi32, #tpu.memory_space<hbm>>) target(%dma_start3A_893 : memref<200xi32, #tpu.memory_space<vmem>>) target_semaphore(%dma_start3A_890 : memref<!tpu.dma_semaphore, #tpu.memory_space<semaphore_mem>>)
      } else {
      }
    }
    %scan3A_124 = arith.constant 64 : i32
    %dma_wait3A = arith.constant 0 : i32
    %dma_wait3A_125 = arith.constant 0 : i32
    %dma_wait3A_126 = arith.constant 0 : i32
    %dma_wait3A_127 = arith.constant 0 : i32
    %dma_wait3A_128 = tpu.memref_slice %arg6[%dma_wait3A, %dma_wait3A_126, %dma_wait3A_127] : memref<8x200x64xf32, #tpu.memory_space<vmem>> -> memref<1x200x64xf32, #tpu.memory_space<vmem>>
    %dma_wait3A_129 = tpu.memref_squeeze %dma_wait3A_128 : memref<1x200x64xf32, #tpu.memory_space<vmem>> -> memref<200x64xf32, #tpu.memory_space<vmem>>
    %dma_wait3A_130 = arith.constant 0 : i32
    %dma_wait3A_131 = arith.constant 0 : i32
    %dma_wait3A_132 = tpu.memref_slice %arg4[%dma_wait3A_130, %dma_wait3A_131] : memref<3276800x64xf32, #tpu.memory_space<hbm>> -> memref<200x64xf32, #tpu.memory_space<hbm>>
    %dma_wait3A_133 = tpu.memref_slice %arg9[%dma_wait3A_125] : memref<8x!tpu.dma_semaphore, #tpu.memory_space<semaphore_mem>> -> memref<1x!tpu.dma_semaphore, #tpu.memory_space<semaphore_mem>>
    %dma_wait3A_134 = tpu.memref_squeeze %dma_wait3A_133 : memref<1x!tpu.dma_semaphore, #tpu.memory_space<semaphore_mem>> -> memref<!tpu.dma_semaphore, #tpu.memory_space<semaphore_mem>>
    %dma_wait3A_135 = arith.constant 0 : i32
    %dma_wait3A_136 = arith.constant 0 : i32
    %dma_wait3A_137 = tpu.memref_slice %arg4[%dma_wait3A_135, %dma_wait3A_136] : memref<3276800x64xf32, #tpu.memory_space<hbm>> -> memref<200x64xf32, #tpu.memory_space<hbm>>
    %dma_wait3A_138 = arith.constant 0 : i32
    %dma_wait3A_139 = arith.constant 0 : i32
    %dma_wait3A_140 = tpu.memref_slice %arg6[%dma_wait3A, %dma_wait3A_138, %dma_wait3A_139] : memref<8x200x64xf32, #tpu.memory_space<vmem>> -> memref<1x200x64xf32, #tpu.memory_space<vmem>>
    %dma_wait3A_141 = tpu.memref_squeeze %dma_wait3A_140 : memref<1x200x64xf32, #tpu.memory_space<vmem>> -> memref<200x64xf32, #tpu.memory_space<vmem>>
    tpu.wait_dma2 semaphore(%dma_wait3A_134 : memref<!tpu.dma_semaphore, #tpu.memory_space<semaphore_mem>>) src(%dma_wait3A_141 : memref<200x64xf32, #tpu.memory_space<vmem>>) dst(%dma_wait3A_137 : memref<200x64xf32, #tpu.memory_space<hbm>>)
    %dma_wait3A_142 = arith.constant 1 : i32
    %dma_wait3A_143 = arith.constant 1 : i32
    %dma_wait3A_144 = arith.constant 0 : i32
    %dma_wait3A_145 = arith.constant 0 : i32
    %dma_wait3A_146 = tpu.memref_slice %arg6[%dma_wait3A_142, %dma_wait3A_144, %dma_wait3A_145] : memref<8x200x64xf32, #tpu.memory_space<vmem>> -> memref<1x200x64xf32, #tpu.memory_space<vmem>>
    %dma_wait3A_147 = tpu.memref_squeeze %dma_wait3A_146 : memref<1x200x64xf32, #tpu.memory_space<vmem>> -> memref<200x64xf32, #tpu.memory_space<vmem>>
    %dma_wait3A_148 = arith.constant 0 : i32
    %dma_wait3A_149 = arith.constant 0 : i32
    %dma_wait3A_150 = tpu.memref_slice %arg4[%dma_wait3A_148, %dma_wait3A_149] : memref<3276800x64xf32, #tpu.memory_space<hbm>> -> memref<200x64xf32, #tpu.memory_space<hbm>>
    %dma_wait3A_151 = tpu.memref_slice %arg9[%dma_wait3A_143] : memref<8x!tpu.dma_semaphore, #tpu.memory_space<semaphore_mem>> -> memref<1x!tpu.dma_semaphore, #tpu.memory_space<semaphore_mem>>
    %dma_wait3A_152 = tpu.memref_squeeze %dma_wait3A_151 : memref<1x!tpu.dma_semaphore, #tpu.memory_space<semaphore_mem>> -> memref<!tpu.dma_semaphore, #tpu.memory_space<semaphore_mem>>
    %dma_wait3A_153 = arith.constant 0 : i32
    %dma_wait3A_154 = arith.constant 0 : i32
    %dma_wait3A_155 = tpu.memref_slice %arg4[%dma_wait3A_153, %dma_wait3A_154] : memref<3276800x64xf32, #tpu.memory_space<hbm>> -> memref<200x64xf32, #tpu.memory_space<hbm>>
    %dma_wait3A_156 = arith.constant 0 : i32
    %dma_wait3A_157 = arith.constant 0 : i32
    %dma_wait3A_158 = tpu.memref_slice %arg6[%dma_wait3A_142, %dma_wait3A_156, %dma_wait3A_157] : memref<8x200x64xf32, #tpu.memory_space<vmem>> -> memref<1x200x64xf32, #tpu.memory_space<vmem>>
    %dma_wait3A_159 = tpu.memref_squeeze %dma_wait3A_158 : memref<1x200x64xf32, #tpu.memory_space<vmem>> -> memref<200x64xf32, #tpu.memory_space<vmem>>
    tpu.wait_dma2 semaphore(%dma_wait3A_152 : memref<!tpu.dma_semaphore, #tpu.memory_space<semaphore_mem>>) src(%dma_wait3A_159 : memref<200x64xf32, #tpu.memory_space<vmem>>) dst(%dma_wait3A_155 : memref<200x64xf32, #tpu.memory_space<hbm>>)
    %dma_wait3A_160 = arith.constant 2 : i32
    %dma_wait3A_161 = arith.constant 2 : i32
    %dma_wait3A_162 = arith.constant 0 : i32
    %dma_wait3A_163 = arith.constant 0 : i32
    %dma_wait3A_164 = tpu.memref_slice %arg6[%dma_wait3A_160, %dma_wait3A_162, %dma_wait3A_163] : memref<8x200x64xf32, #tpu.memory_space<vmem>> -> memref<1x200x64xf32, #tpu.memory_space<vmem>>
    %dma_wait3A_165 = tpu.memref_squeeze %dma_wait3A_164 : memref<1x200x64xf32, #tpu.memory_space<vmem>> -> memref<200x64xf32, #tpu.memory_space<vmem>>
    %dma_wait3A_166 = arith.constant 0 : i32
    %dma_wait3A_167 = arith.constant 0 : i32
    %dma_wait3A_168 = tpu.memref_slice %arg4[%dma_wait3A_166, %dma_wait3A_167] : memref<3276800x64xf32, #tpu.memory_space<hbm>> -> memref<200x64xf32, #tpu.memory_space<hbm>>
    %dma_wait3A_169 = tpu.memref_slice %arg9[%dma_wait3A_161] : memref<8x!tpu.dma_semaphore, #tpu.memory_space<semaphore_mem>> -> memref<1x!tpu.dma_semaphore, #tpu.memory_space<semaphore_mem>>
    %dma_wait3A_170 = tpu.memref_squeeze %dma_wait3A_169 : memref<1x!tpu.dma_semaphore, #tpu.memory_space<semaphore_mem>> -> memref<!tpu.dma_semaphore, #tpu.memory_space<semaphore_mem>>
    %dma_wait3A_171 = arith.constant 0 : i32
    %dma_wait3A_172 = arith.constant 0 : i32
    %dma_wait3A_173 = tpu.memref_slice %arg4[%dma_wait3A_171, %dma_wait3A_172] : memref<3276800x64xf32, #tpu.memory_space<hbm>> -> memref<200x64xf32, #tpu.memory_space<hbm>>
    %dma_wait3A_174 = arith.constant 0 : i32
    %dma_wait3A_175 = arith.constant 0 : i32
    %dma_wait3A_176 = tpu.memref_slice %arg6[%dma_wait3A_160, %dma_wait3A_174, %dma_wait3A_175] : memref<8x200x64xf32, #tpu.memory_space<vmem>> -> memref<1x200x64xf32, #tpu.memory_space<vmem>>
    %dma_wait3A_177 = tpu.memref_squeeze %dma_wait3A_176 : memref<1x200x64xf32, #tpu.memory_space<vmem>> -> memref<200x64xf32, #tpu.memory_space<vmem>>
    tpu.wait_dma2 semaphore(%dma_wait3A_170 : memref<!tpu.dma_semaphore, #tpu.memory_space<semaphore_mem>>) src(%dma_wait3A_177 : memref<200x64xf32, #tpu.memory_space<vmem>>) dst(%dma_wait3A_173 : memref<200x64xf32, #tpu.memory_space<hbm>>)
    %dma_wait3A_178 = arith.constant 3 : i32
    %dma_wait3A_179 = arith.constant 3 : i32
    %dma_wait3A_180 = arith.constant 0 : i32
    %dma_wait3A_181 = arith.constant 0 : i32
    %dma_wait3A_182 = tpu.memref_slice %arg6[%dma_wait3A_178, %dma_wait3A_180, %dma_wait3A_181] : memref<8x200x64xf32, #tpu.memory_space<vmem>> -> memref<1x200x64xf32, #tpu.memory_space<vmem>>
    %dma_wait3A_183 = tpu.memref_squeeze %dma_wait3A_182 : memref<1x200x64xf32, #tpu.memory_space<vmem>> -> memref<200x64xf32, #tpu.memory_space<vmem>>
    %dma_wait3A_184 = arith.constant 0 : i32
    %dma_wait3A_185 = arith.constant 0 : i32
    %dma_wait3A_186 = tpu.memref_slice %arg4[%dma_wait3A_184, %dma_wait3A_185] : memref<3276800x64xf32, #tpu.memory_space<hbm>> -> memref<200x64xf32, #tpu.memory_space<hbm>>
    %dma_wait3A_187 = tpu.memref_slice %arg9[%dma_wait3A_179] : memref<8x!tpu.dma_semaphore, #tpu.memory_space<semaphore_mem>> -> memref<1x!tpu.dma_semaphore, #tpu.memory_space<semaphore_mem>>
    %dma_wait3A_188 = tpu.memref_squeeze %dma_wait3A_187 : memref<1x!tpu.dma_semaphore, #tpu.memory_space<semaphore_mem>> -> memref<!tpu.dma_semaphore, #tpu.memory_space<semaphore_mem>>
    %dma_wait3A_189 = arith.constant 0 : i32
    %dma_wait3A_190 = arith.constant 0 : i32
    %dma_wait3A_191 = tpu.memref_slice %arg4[%dma_wait3A_189, %dma_wait3A_190] : memref<3276800x64xf32, #tpu.memory_space<hbm>> -> memref<200x64xf32, #tpu.memory_space<hbm>>
    %dma_wait3A_192 = arith.constant 0 : i32
    %dma_wait3A_193 = arith.constant 0 : i32
    %dma_wait3A_194 = tpu.memref_slice %arg6[%dma_wait3A_178, %dma_wait3A_192, %dma_wait3A_193] : memref<8x200x64xf32, #tpu.memory_space<vmem>> -> memref<1x200x64xf32, #tpu.memory_space<vmem>>
    %dma_wait3A_195 = tpu.memref_squeeze %dma_wait3A_194 : memref<1x200x64xf32, #tpu.memory_space<vmem>> -> memref<200x64xf32, #tpu.memory_space<vmem>>
    tpu.wait_dma2 semaphore(%dma_wait3A_188 : memref<!tpu.dma_semaphore, #tpu.memory_space<semaphore_mem>>) src(%dma_wait3A_195 : memref<200x64xf32, #tpu.memory_space<vmem>>) dst(%dma_wait3A_191 : memref<200x64xf32, #tpu.memory_space<hbm>>)
    %dma_wait3A_196 = arith.constant 4 : i32
    %dma_wait3A_197 = arith.constant 4 : i32
    %dma_wait3A_198 = arith.constant 0 : i32
    %dma_wait3A_199 = arith.constant 0 : i32
    %dma_wait3A_200 = tpu.memref_slice %arg6[%dma_wait3A_196, %dma_wait3A_198, %dma_wait3A_199] : memref<8x200x64xf32, #tpu.memory_space<vmem>> -> memref<1x200x64xf32, #tpu.memory_space<vmem>>
    %dma_wait3A_201 = tpu.memref_squeeze %dma_wait3A_200 : memref<1x200x64xf32, #tpu.memory_space<vmem>> -> memref<200x64xf32, #tpu.memory_space<vmem>>
    %dma_wait3A_202 = arith.constant 0 : i32
    %dma_wait3A_203 = arith.constant 0 : i32
    %dma_wait3A_204 = tpu.memref_slice %arg4[%dma_wait3A_202, %dma_wait3A_203] : memref<3276800x64xf32, #tpu.memory_space<hbm>> -> memref<200x64xf32, #tpu.memory_space<hbm>>
    %dma_wait3A_205 = tpu.memref_slice %arg9[%dma_wait3A_197] : memref<8x!tpu.dma_semaphore, #tpu.memory_space<semaphore_mem>> -> memref<1x!tpu.dma_semaphore, #tpu.memory_space<semaphore_mem>>
    %dma_wait3A_206 = tpu.memref_squeeze %dma_wait3A_205 : memref<1x!tpu.dma_semaphore, #tpu.memory_space<semaphore_mem>> -> memref<!tpu.dma_semaphore, #tpu.memory_space<semaphore_mem>>
    %dma_wait3A_207 = arith.constant 0 : i32
    %dma_wait3A_208 = arith.constant 0 : i32
    %dma_wait3A_209 = tpu.memref_slice %arg4[%dma_wait3A_207, %dma_wait3A_208] : memref<3276800x64xf32, #tpu.memory_space<hbm>> -> memref<200x64xf32, #tpu.memory_space<hbm>>
    %dma_wait3A_210 = arith.constant 0 : i32
    %dma_wait3A_211 = arith.constant 0 : i32
    %dma_wait3A_212 = tpu.memref_slice %arg6[%dma_wait3A_196, %dma_wait3A_210, %dma_wait3A_211] : memref<8x200x64xf32, #tpu.memory_space<vmem>> -> memref<1x200x64xf32, #tpu.memory_space<vmem>>
    %dma_wait3A_213 = tpu.memref_squeeze %dma_wait3A_212 : memref<1x200x64xf32, #tpu.memory_space<vmem>> -> memref<200x64xf32, #tpu.memory_space<vmem>>
    tpu.wait_dma2 semaphore(%dma_wait3A_206 : memref<!tpu.dma_semaphore, #tpu.memory_space<semaphore_mem>>) src(%dma_wait3A_213 : memref<200x64xf32, #tpu.memory_space<vmem>>) dst(%dma_wait3A_209 : memref<200x64xf32, #tpu.memory_space<hbm>>)
    %dma_wait3A_214 = arith.constant 5 : i32
    %dma_wait3A_215 = arith.constant 5 : i32
    %dma_wait3A_216 = arith.constant 0 : i32
    %dma_wait3A_217 = arith.constant 0 : i32
    %dma_wait3A_218 = tpu.memref_slice %arg6[%dma_wait3A_214, %dma_wait3A_216, %dma_wait3A_217] : memref<8x200x64xf32, #tpu.memory_space<vmem>> -> memref<1x200x64xf32, #tpu.memory_space<vmem>>
    %dma_wait3A_219 = tpu.memref_squeeze %dma_wait3A_218 : memref<1x200x64xf32, #tpu.memory_space<vmem>> -> memref<200x64xf32, #tpu.memory_space<vmem>>
    %dma_wait3A_220 = arith.constant 0 : i32
    %dma_wait3A_221 = arith.constant 0 : i32
    %dma_wait3A_222 = tpu.memref_slice %arg4[%dma_wait3A_220, %dma_wait3A_221] : memref<3276800x64xf32, #tpu.memory_space<hbm>> -> memref<200x64xf32, #tpu.memory_space<hbm>>
    %dma_wait3A_223 = tpu.memref_slice %arg9[%dma_wait3A_215] : memref<8x!tpu.dma_semaphore, #tpu.memory_space<semaphore_mem>> -> memref<1x!tpu.dma_semaphore, #tpu.memory_space<semaphore_mem>>
    %dma_wait3A_224 = tpu.memref_squeeze %dma_wait3A_223 : memref<1x!tpu.dma_semaphore, #tpu.memory_space<semaphore_mem>> -> memref<!tpu.dma_semaphore, #tpu.memory_space<semaphore_mem>>
    %dma_wait3A_225 = arith.constant 0 : i32
    %dma_wait3A_226 = arith.constant 0 : i32
    %dma_wait3A_227 = tpu.memref_slice %arg4[%dma_wait3A_225, %dma_wait3A_226] : memref<3276800x64xf32, #tpu.memory_space<hbm>> -> memref<200x64xf32, #tpu.memory_space<hbm>>
    %dma_wait3A_228 = arith.constant 0 : i32
    %dma_wait3A_229 = arith.constant 0 : i32
    %dma_wait3A_230 = tpu.memref_slice %arg6[%dma_wait3A_214, %dma_wait3A_228, %dma_wait3A_229] : memref<8x200x64xf32, #tpu.memory_space<vmem>> -> memref<1x200x64xf32, #tpu.memory_space<vmem>>
    %dma_wait3A_231 = tpu.memref_squeeze %dma_wait3A_230 : memref<1x200x64xf32, #tpu.memory_space<vmem>> -> memref<200x64xf32, #tpu.memory_space<vmem>>
    tpu.wait_dma2 semaphore(%dma_wait3A_224 : memref<!tpu.dma_semaphore, #tpu.memory_space<semaphore_mem>>) src(%dma_wait3A_231 : memref<200x64xf32, #tpu.memory_space<vmem>>) dst(%dma_wait3A_227 : memref<200x64xf32, #tpu.memory_space<hbm>>)
    %dma_wait3A_232 = arith.constant 6 : i32
    %dma_wait3A_233 = arith.constant 6 : i32
    %dma_wait3A_234 = arith.constant 0 : i32
    %dma_wait3A_235 = arith.constant 0 : i32
    %dma_wait3A_236 = tpu.memref_slice %arg6[%dma_wait3A_232, %dma_wait3A_234, %dma_wait3A_235] : memref<8x200x64xf32, #tpu.memory_space<vmem>> -> memref<1x200x64xf32, #tpu.memory_space<vmem>>
    %dma_wait3A_237 = tpu.memref_squeeze %dma_wait3A_236 : memref<1x200x64xf32, #tpu.memory_space<vmem>> -> memref<200x64xf32, #tpu.memory_space<vmem>>
    %dma_wait3A_238 = arith.constant 0 : i32
    %dma_wait3A_239 = arith.constant 0 : i32
    %dma_wait3A_240 = tpu.memref_slice %arg4[%dma_wait3A_238, %dma_wait3A_239] : memref<3276800x64xf32, #tpu.memory_space<hbm>> -> memref<200x64xf32, #tpu.memory_space<hbm>>
    %dma_wait3A_241 = tpu.memref_slice %arg9[%dma_wait3A_233] : memref<8x!tpu.dma_semaphore, #tpu.memory_space<semaphore_mem>> -> memref<1x!tpu.dma_semaphore, #tpu.memory_space<semaphore_mem>>
    %dma_wait3A_242 = tpu.memref_squeeze %dma_wait3A_241 : memref<1x!tpu.dma_semaphore, #tpu.memory_space<semaphore_mem>> -> memref<!tpu.dma_semaphore, #tpu.memory_space<semaphore_mem>>
    %dma_wait3A_243 = arith.constant 0 : i32
    %dma_wait3A_244 = arith.constant 0 : i32
    %dma_wait3A_245 = tpu.memref_slice %arg4[%dma_wait3A_243, %dma_wait3A_244] : memref<3276800x64xf32, #tpu.memory_space<hbm>> -> memref<200x64xf32, #tpu.memory_space<hbm>>
    %dma_wait3A_246 = arith.constant 0 : i32
    %dma_wait3A_247 = arith.constant 0 : i32
    %dma_wait3A_248 = tpu.memref_slice %arg6[%dma_wait3A_232, %dma_wait3A_246, %dma_wait3A_247] : memref<8x200x64xf32, #tpu.memory_space<vmem>> -> memref<1x200x64xf32, #tpu.memory_space<vmem>>
    %dma_wait3A_249 = tpu.memref_squeeze %dma_wait3A_248 : memref<1x200x64xf32, #tpu.memory_space<vmem>> -> memref<200x64xf32, #tpu.memory_space<vmem>>
    tpu.wait_dma2 semaphore(%dma_wait3A_242 : memref<!tpu.dma_semaphore, #tpu.memory_space<semaphore_mem>>) src(%dma_wait3A_249 : memref<200x64xf32, #tpu.memory_space<vmem>>) dst(%dma_wait3A_245 : memref<200x64xf32, #tpu.memory_space<hbm>>)
    %dma_wait3A_250 = arith.constant 7 : i32
    %dma_wait3A_251 = arith.constant 7 : i32
    %dma_wait3A_252 = arith.constant 0 : i32
    %dma_wait3A_253 = arith.constant 0 : i32
    %dma_wait3A_254 = tpu.memref_slice %arg6[%dma_wait3A_250, %dma_wait3A_252, %dma_wait3A_253] : memref<8x200x64xf32, #tpu.memory_space<vmem>> -> memref<1x200x64xf32, #tpu.memory_space<vmem>>
    %dma_wait3A_255 = tpu.memref_squeeze %dma_wait3A_254 : memref<1x200x64xf32, #tpu.memory_space<vmem>> -> memref<200x64xf32, #tpu.memory_space<vmem>>
    %dma_wait3A_256 = arith.constant 0 : i32
    %dma_wait3A_257 = arith.constant 0 : i32
    %dma_wait3A_258 = tpu.memref_slice %arg4[%dma_wait3A_256, %dma_wait3A_257] : memref<3276800x64xf32, #tpu.memory_space<hbm>> -> memref<200x64xf32, #tpu.memory_space<hbm>>
    %dma_wait3A_259 = tpu.memref_slice %arg9[%dma_wait3A_251] : memref<8x!tpu.dma_semaphore, #tpu.memory_space<semaphore_mem>> -> memref<1x!tpu.dma_semaphore, #tpu.memory_space<semaphore_mem>>
    %dma_wait3A_260 = tpu.memref_squeeze %dma_wait3A_259 : memref<1x!tpu.dma_semaphore, #tpu.memory_space<semaphore_mem>> -> memref<!tpu.dma_semaphore, #tpu.memory_space<semaphore_mem>>
    %dma_wait3A_261 = arith.constant 0 : i32
    %dma_wait3A_262 = arith.constant 0 : i32
    %dma_wait3A_263 = tpu.memref_slice %arg4[%dma_wait3A_261, %dma_wait3A_262] : memref<3276800x64xf32, #tpu.memory_space<hbm>> -> memref<200x64xf32, #tpu.memory_space<hbm>>
    %dma_wait3A_264 = arith.constant 0 : i32
    %dma_wait3A_265 = arith.constant 0 : i32
    %dma_wait3A_266 = tpu.memref_slice %arg6[%dma_wait3A_250, %dma_wait3A_264, %dma_wait3A_265] : memref<8x200x64xf32, #tpu.memory_space<vmem>> -> memref<1x200x64xf32, #tpu.memory_space<vmem>>
    %dma_wait3A_267 = tpu.memref_squeeze %dma_wait3A_266 : memref<1x200x64xf32, #tpu.memory_space<vmem>> -> memref<200x64xf32, #tpu.memory_space<vmem>>
    tpu.wait_dma2 semaphore(%dma_wait3A_260 : memref<!tpu.dma_semaphore, #tpu.memory_space<semaphore_mem>>) src(%dma_wait3A_267 : memref<200x64xf32, #tpu.memory_space<vmem>>) dst(%dma_wait3A_263 : memref<200x64xf32, #tpu.memory_space<hbm>>)
    return
  }
}

</mosaic_0001>

<sc_bundles>
// kernel: _embedding_lookup.3.cloned.1.call-start
scs
__scs_entry_jumppad:
0x0: {  	(pc) =	sbr.rel $0x88, $3  }
0x1: {  	(tag) =	ssettag $0x0;
	lr =	simm.s32 $0x1  }
0x2: {  	[smem:$0x3F9F] =	sst lr;
	_ =	strace $0xD0000000  }
0x3: {  	_ = 	snop  }
0x4: {  	_ = 	snop  }
0x5: {  	_ = 	snop  }
0x6: {  	_ = 	snop  }
0x7: {  	_ = 	snop  }
__scs_overlays_trampoline_lowered:
0x8: {  	[smem:$0x3FAE] =	sst s0  }
0x9: {  	[smem:$0x3FAF] =	sst s1  }
0xa: {  	[smem:$0x3FB0] =	sst s2  }
0xb: {  	[smem:$0x3FB1] =	sst s3  }
0xc: {  	[smem:$0x3FB2] =	sst s4  }
0xd: {  	[smem:$0x3FB3] =	sst s5  }
0xe: {  	[smem:$0x3FB4] =	sst s6  }
0xf: {  	[smem:$0x3FB5] =	sst s7  }
0x10: {  	[smem:$0x3FB6] =	sst s8  }
0x11: {  	[smem:$0x3FB7] =	sst s9;
	s0 =	simm.s32 @!p0 $0x0  }
0x12: {  	s1 =	sld [smem:$0x3F9D];
	s0 =	simm.s32 @p0 $0x1  }
0x13: {  	[smem:$0x3FB8] =	sst s0;
	s0 =	simm.s32 @!p1 $0x0  }
0x14: {  	s2 =	sld [smem:$0x3F9C];
	s0 =	simm.s32 @p1 $0x1  }
0x15: {  	[smem:$0x3FB9] =	sst s0;
	s0 =	simm.s32 @!p2 $0x0  }
0x16: {  	s3 =	sld [smem:$0x3FDB];
	s0 =	simm.s32 @p2 $0x1  }
0x17: {  	s4 =	simm.s32 $0x1BF5;
	[smem:$0x3FBB] =	sst s0  }
0x18: {  	s0 =	sld [smem:$0x3F9E];
	_ =	swait.ge [sflag:s4], $0x0  }
0x19: {  	s7 =	sld [smem:$0x3F9F]  }
0x1a: {  	s8 =	sadd.s32 $0xFFFFE003, lr  }
0x1b: {  	s9 =	sadd.s32 $0xFFFFFEF7, lr;
	s5 =	simm.s32 $0xFFFFFFFF;
	p2 =	slt.u32 s8, $0xFFFFF086  }
0x1c: {  	p1 =	slt.u32 s9, $0xF7A;
	s5 =	simm.s32 @!p2 $0x0  }
0x1d: {  	s5 =	simm.s32 @p1 $0x1;
	p0 =	seq.s32 s7, s2  }
0x1e: {  	s7 =	smul.u32 @!p0 $0xF7A, s2;
	p2 =	seq.s32 @!p0 s5, $0x0  }
0x1f: {  	s9 =	smul.u32 $0xF7A, s1;
	s8 =	simm.s32 @!p0 $0x1BF5;
	p2 =	por !p2, p0  }
0x20: {  	[sflag:s8] =	ssyncset.s32 @!p0 $0xFFFFF086;
	s6 =	sadd.s32 @!p0 s3, s7;
	s7 =	simm.s32 @!p0 $0x108  }
0x21: {  	s3 =	sadd.s32 s3, s9;
	s6 =	sadd.s32 @!p0 $0x88, s6;
	s7 =	simm.s32 @p2 $0x1082  }
0x22: {  	[simem:s7], [sflag:s8] =	dma.local @!p0 [hbm:s6], $0xF7A  }
0x23: {  	s9 =	sor.u32 $0xD0000000, s2;
	s6 =	simm.s32 $0x108;
	_ =	swait.ge @!p0 [sflag:s8], $0x0  }
0x24: {  	s3 =	sadd.s32 $0x88, s3;
	s6 =	simm.s32 @!p1 $0x1082;
	[sflag:s4] =	ssyncset.s32 $0xFFFFF086  }
0x25: {  	[simem:s6], [sflag:s4] =	dma.local [hbm:s3], $0xF7A  }
0x26: {  	[smem:$0x3F9F] =	sst s1;
	(tag) =	ssettag s2;
	_ =	strace s9  }
0x27: {  	s1 =	sld [smem:$0x3FAF]  }
0x28: {  	s2 =	sld [smem:$0x3FB0]  }
0x29: {  	s4 =	sld [smem:$0x3FB2]  }
0x2a: {  	p0 =	seq.s32 s5, $0x0;
	s5 =	sld [smem:$0x3FB3]  }
0x2b: {  	s6 =	sld [smem:$0x3FB4]  }
0x2c: {  	s7 =	sld [smem:$0x3FB5]  }
0x2d: {  	s3 =	simm.s32 $0x108;
	s8 =	sld [smem:$0x3FB6]  }
0x2e: {  	s3 =	simm.s32 @!p0 $0x1082;
	s9 =	sld [smem:$0x3FB7]  }
0x2f: {  	lr =	sadd.s32 s0, s3;
	s0 =	sld [smem:$0x3FAE]  }
0x30: {  	s3 =	sld [smem:$0x3FB1]  }
0x31: {  	[smem:$0x3FBA] =	sst s10  }
0x32: {  	s10 =	sld [smem:$0x3FB8];
	_ =	sdelay $0x3  }
0x33: {  	p0 =	seq.s32 s10, $0x1;
	s10 =	sld [smem:$0x3FBA];
	_ =	sdelay $0x3  }
0x34: {  	[smem:$0x3FBA] =	sst s10  }
0x35: {  	s10 =	sld [smem:$0x3FB9];
	_ =	sdelay $0x3  }
0x36: {  	p1 =	seq.s32 s10, $0x1;
	s10 =	sld [smem:$0x3FBA];
	_ =	sdelay $0x3  }
0x37: {  	[smem:$0x3FBA] =	sst s10  }
0x38: {  	s10 =	sld [smem:$0x3FBB]  }
0x39: {  	_ = 	snop;
	(pc) =	sbr.ind lr, $3  }
0x3a: {  	_ = 	snop  }
0x3b: {  	_ = 	snop  }
0x3c: {  	p2 =	seq.s32 s10, $0x1;
	s10 =	sld [smem:$0x3FBA]  }
0x3d: {  	_ =	shalt  }
0x3e: {  	_ =	shalt  }
0x3f: {  	_ =	shalt  }
0x40: {  	_ =	shalt  }
0x41: {  	_ =	shalt  }
0x42: {  	_ =	shalt  }
0x43: {  	_ =	shalt  }
0x44: {  	_ =	shalt  }
0x45: {  	_ =	shalt  }
0x46: {  	_ =	shalt  }
0x47: {  	_ =	shalt  }
0x48: {  	_ =	shalt  }
0x49: {  	_ =	shalt  }
0x4a: {  	_ =	shalt  }
0x4b: {  	_ =	shalt  }
0x4c: {  	_ =	shalt  }
0x4d: {  	_ =	shalt  }
0x4e: {  	_ =	shalt  }
0x4f: {  	_ =	shalt  }
0x50: {  	_ =	shalt  }
0x51: {  	_ =	shalt  }
0x52: {  	_ =	shalt  }
0x53: {  	_ =	shalt  }
0x54: {  	_ =	shalt  }
0x55: {  	_ =	shalt  }
0x56: {  	_ =	shalt  }
0x57: {  	_ =	shalt  }
0x58: {  	_ =	shalt  }
0x59: {  	_ =	shalt  }
0x5a: {  	_ =	shalt  }
0x5b: {  	_ =	shalt  }
0x5c: {  	_ =	shalt  }
0x5d: {  	_ =	shalt  }
0x5e: {  	_ =	shalt  }
0x5f: {  	_ =	shalt  }
0x60: {  	_ =	shalt  }
0x61: {  	_ =	shalt  }
0x62: {  	_ =	shalt  }
0x63: {  	_ =	shalt  }
0x64: {  	_ =	shalt  }
0x65: {  	_ =	shalt  }
0x66: {  	_ =	shalt  }
0x67: {  	_ =	shalt  }
0x68: {  	_ =	shalt  }
0x69: {  	_ =	shalt  }
0x6a: {  	_ =	shalt  }
0x6b: {  	_ =	shalt  }
0x6c: {  	_ =	shalt  }
0x6d: {  	_ =	shalt  }
0x6e: {  	_ =	shalt  }
0x6f: {  	_ =	shalt  }
0x70: {  	_ =	shalt  }
0x71: {  	_ =	shalt  }
0x72: {  	_ =	shalt  }
0x73: {  	_ =	shalt  }
0x74: {  	_ =	shalt  }
0x75: {  	_ =	shalt  }
0x76: {  	_ =	shalt  }
0x77: {  	_ =	shalt  }
0x78: {  	_ =	shalt  }
0x79: {  	_ =	shalt  }
0x7a: {  	_ =	shalt  }
0x7b: {  	_ =	shalt  }
0x7c: {  	_ =	shalt  }
0x7d: {  	_ =	shalt  }
0x7e: {  	_ =	shalt  }
0x7f: {  	_ =	shalt  }
0x80: {  	_ =	shalt  }
0x81: {  	_ =	shalt  }
0x82: {  	_ =	shalt  }
0x83: {  	_ =	shalt  }
0x84: {  	_ =	shalt  }
0x85: {  	_ =	shalt  }
0x86: {  	_ =	shalt  }
0x87: {  	_ =	shalt  }
.Lfunc_end0:
.L_simem_size_0:
called_computation.1_lowered:
.L_overlay_start_0:
0x88: {  	s2 =	sld [smem:$0x3FD9]  }
0x89: {  	s3 =	sld [smem:$0x3FFE];
	_ =	sdelay $0x1  }
0x8a: {  	s1 =	srdreg.scid  }
0x8b: {  	s0 =	sand.u32 $0x1, s1  }
0x8c: {  	s17 =	sshll.u32 s0, $0xA;
	s2 =	sadd.s32 s3, s2  }
0x8d: {  	s2 =	sadd.s32 s2, s17  }
0x8e: {  	[smem:$0x3FC6] =	sst s2  }
0x8f: {  	_ = 	snop  }
0x90: {  	s2 =	sld [smem:$0x3FC9]  }
0x91: {  	s18 =	sld [smem:$0x3FD0];
	(tm) =	ssettm $0x1  }
0x92: {  	s4 =	sld [smem:$0x3FFB];
	_ =	sdelay $0x3  }
0x93: {  	_ =	strace s4  }
0x94: {  	s4 =	sld [smem:$0x3FFC];
	_ =	sdelay $0x3  }
0x95: {  	_ =	strace s4  }
0x96: {  	s4 =	sld [smem:$0x3FFD];
	_ =	sdelay $0x3  }
0x97: {  	_ =	strace s4  }
0x98: {  	_ =	strace $0x8FFFFFFF  }
0x99: {  	s19 =	sld [smem:$0x3FDB];
	_ =	sdelay $0x1  }
0x9a: {  	s5 =	simm.s32 $_scs_section_size  }
0x9b: {  	s6 =	simm.s32 $_size__tile_overlayer_lowered;
	s7 =	simm.s32 $_tile_overlayer_lowered  }
0x9c: {  	s22 =	simm.s32 $0x1BFF;
	s21 =	sshll.u32 s7, $0x1;
	s4 =	sadd.s32 s5, s19  }
0x9d: {  	s8 =	simm.s32 $0x0;
	s20 =	sshll.u32 s6, $0x1;
	s6 =	sadd.s32 s21, s4  }
0x9e: {  	[timem:s8], [sflag:s22] =	dma.local [hbm:s6], s20  }
0x9f: {  	_ =	swait.ge [sflag:s22], s20  }
0xa0: {  	s5 =	ssub.s32 $0x0, s20;
	[sflag:s22] =	ssyncset.done $0x0  }
0xa1: {  	[sflag:s22] =	ssyncadd.s32 s5;
	_ =	sdelay $0x1  }
0xa2: {  	s23 =	simm.s32 $0x1B8B  }
0xa3: {  	_ =	swait.ge [sflag:s23], $0x1  }
0xa4: {  	[sflag:s23] =	ssyncset.done $0x0  }
0xa5: {  	s25 =	simm.s32 $0x1B8E;
	s24 =	sld [smem:$0x3FFE];
	[sflag:s23] =	ssyncadd.s32 $0xFFFFFFFF  }
0xa6: {  	s26 =	simm.s32 $execute0_lowered;
	[smem:$0x3FD2] =	sst s25  }
0xa7: {  	s6 =	sshll.u32 s26, $0x1;
	_ =	strace $0x80000046;
	[dreg:$0x1] =	wrdreg $0xFFFFFFFF  }
0xa8: {  	s28 =	simm.s32 $_size_execute0_lowered;
	s4 =	sadd.s32 s4, s6;
	[dreg:$0x0] =	wrdreg $0x0  }
0xa9: {  	s6 =	sshll.u32 s28, $0x1;
	[dreg:$0x2] =	wrdreg s4  }
0xaa: {  	[dreg:$0x3] =	wrdreg s6  }
0xab: {  	[dreg:$0x4] =	wrdreg $0xC0  }
0xac: {  	_ =	task [dreg:s8], $0x5FFFF  }
0xad: {  	[dreg:$0x1] =	wrdreg $0xFFFFFFFF  }
0xae: {  	[dreg:$0x0] =	wrdreg $0x60  }
0xaf: {  	[dreg:$0x2] =	wrdreg s2  }
0xb0: {  	[dreg:$0x3] =	wrdreg s24  }
0xb1: {  	[dreg:$0x4] =	wrdreg s18  }
0xb2: {  	[dreg:$0x5] =	wrdreg $0x9  }
0xb3: {  	_ =	task.clear_ibuf [dreg:s8], $0x6FFFF;
	_ =	strace $0x90000046  }
0xb4: {  	s29 =	simm.s32 $0x9;
	_ =	strace $0x80000048  }
0xb5: {  	_ =	swait.ge [sflag:s29], $0x1  }
0xb6: {  	[sflag:s29] =	ssyncadd.s32 $0xFFFFFFFF  }
0xb7: {  	_ =	strace $0x90000048  }
0xb8: {  	_ =	sfence  }
0xb9: {  	s30 =	sld [smem:$0x0];
	_ =	sdelay $0x2  }
0xba: {  	s31 =	sshll.u32 s1, $0xD;
	s1 =	sshrl.u32 s1, $0x2  }
0xbb: {  	s3 =	sand.u32 $0x4000, s31;
	s1 =	sadd.s32 s1, s30  }
0xbc: {  	s0 =	sor.u32 s3, s0;
	s1 =	sshll.u32 s1, $0x11  }
0xbd: {  	s0 =	sor.u32 s1, s0  }
0xbe: {  	s0 =	sadd.s32 $0x8F2B, s0  }
0xbf: {  	[sflag:s0] =	ssyncadd.remote.s32 $0x1  }
0xc0: {  	_ =	sfence.sel $0xFFFF  }
0xc1: {  	[dreg:$0x0] =	wrdreg $0xFFFFFFFF;
	(pc) =	sbr.abs _section_cstart, $3  }
0xc2: {  	[dreg:$0x1] =	wrdreg $0xFFFFFFFF  }
0xc3: {  	_ =	task.clear_ibuf [dreg:s8], $0x2FFFF;
	_ =	strace $0x9FFFFFFF  }
0xc4: {  	(tm) =	ssettm $0x7FFFFFFF  }
0xc5: {  	_ =	shalt  }
tec
execute0_lowered:
.L_overlay_start_1:
0x0: {  	(tag) =	ssettag $0x1  }
0x1: {  	s0 =	rddreg [dreg:$0x0]  }
0x2: {  	s1 =	rddreg [dreg:$0x1]  }
0x3: {  	s2 =	srdreg.scid;
	s9 =	stileid.u32  }
0x4: {  	s3 =	simm.s32 $0x0;
	s31 =	simm.s32 $0xC8;
	s28 =	simm.s32 $0x10040  }
0x5: {  	s29 =	simm.s32 $0x8;
	s2 =	sand.u32 $0x1, s2;
	s5 =	smul.u32 $0x32000, s9  }
0x6: {  	s4 =	sshll.u32 s9, $0x1;
	[smem:$0x7FF] =	sst s3;
	s8 =	smul.u32 $0x19000, s2  }
0x7: {  	s4 =	sor.u32 s2, s4;
	s6 =	ssub.s32 $0x2, s2;
	s2 =	smul.u32 $0xC8000, s2  }
0x8: {  	s30 =	simm.s32 $0x16440;
	_ =	strace $0x80000047;
	s4 =	smul.u32 $0x19000, s4  }
0x9: {  	s13 =	sshrl.u32 s6, $0x1;
	s5 =	sadd.s32 s8, s5;
	s8 =	simm.s32 $0x4  }
0xa: {  	s7 =	sshrl.u32 s4, $0x3;
	s4 =	sadd.s32 $0x800, s1;
	s1 =	ssub.s32 s6, s13  }
0xb: {  	s17 =	sor.u32 $0xBB8, s5;
	s19 =	sor.u32 $0xAF0, s5;
	s20 =	sshll.u32 s5, $0x3  }
0xc: {  	s22 =	sor.u32 $0xA28, s5;
	s24 =	sor.u32 $0x960, s5;
	s1 =	smax.u32 s1, $0x1  }
0xd: {  	s26 =	sor.u32 $0x898, s5;
	s21 =	sor.u32 $0x2BC0, s20;
	[dreg:$0x8] =	wrdreg s1  }
0xe: {  	s10 =	sadd.s32 s0, s7;
	s23 =	sor.u32 $0x2580, s20;
	[dreg:$0xa] =	wrdreg s21  }
0xf: {  	s18 =	sshrl.u32 s17, $0x3;
	s11 =	sor.u32 $0x1F40, s20;
	[dreg:$0xc] =	wrdreg s23  }
0x10: {  	s6 =	sshrl.u32 s19, $0x3;
	s13 =	sor.u32 $0x1900, s20;
	[dreg:$0xe] =	wrdreg s11  }
0x11: {  	s25 =	sshrl.u32 s24, $0x3;
	s12 =	sshrl.u32 s26, $0x3;
	[dreg:$0x10] =	wrdreg s13  }
0x12: {  	s24 =	sor.u32 $0xC80, s20;
	s14 =	sadd.s32 $0x19, s10;
	[dreg:$0x4] =	wrdreg s10  }
0x13: {  	s15 =	sadd.s32 $0x32, s10;
	s16 =	sadd.s32 $0x4B, s10;
	[dreg:$0x5] =	wrdreg s14  }
0x14: {  	s1 =	sadd.s32 s18, s0;
	s6 =	sadd.s32 s6, s0;
	[dreg:$0x6] =	wrdreg s15  }
0x15: {  	s18 =	sadd.s32 $0x64, s10;
	s19 =	sadd.s32 $0x7D, s10;
	[dreg:$0x7] =	wrdreg s16  }
0x16: {  	s26 =	sadd.s32 $0xAF, s10;
	s11 =	simm.s32 $0xD;
	[dreg:$0x9] =	wrdreg s1  }
0x17: {  	s13 =	simm.s32 $0xF;
	[dreg:$0xb] =	wrdreg s6;
	s6 =	sshrl.u32 s22, $0x3  }
0x18: {  	s14 =	sor.u32 $0x7D0, s5;
	s15 =	sor.u32 $0x708, s5;
	[dreg:$0x14] =	wrdreg s18  }
0x19: {  	s16 =	smul.u32 $0x190000, s9;
	s5 =	sor.u32 $0x640, s5;
	[dreg:$0x15] =	wrdreg s19  }
0x1a: {  	s22 =	sor.u32 $0x12C0, s20;
	[dreg:$0x17] =	wrdreg s26;
	s9 =	simm.s32 $0x9C40  }
0x1b: {  	s26 =	simm.s32 $0x6;
	s1 =	simm.s32 $0xA;
	s6 =	sadd.s32 s6, s0  }
0x1c: {  	s7 =	sshrl.u32 s15, $0x3;
	s5 =	sshrl.u32 s5, $0x3;
	[dreg:$0xd] =	wrdreg s6  }
0x1d: {  	s6 =	sadd.s32 s25, s0;
	s17 =	sadd.s32 s7, s0;
	s21 =	sadd.s32 s5, s0  }
0x1e: {  	s23 =	sadd.s32 s2, s16;
	s25 =	sor.u32 $0x640, s20;
	s20 =	sadd.s32 $0x96, s10  }
0x1f: {  	s2 =	simm.s32 $0x578;
	s7 =	simm.s32 $0x3840;
	[dreg:$0xf] =	wrdreg s6  }
.Ltmp0:
0x20: {  	s5 =	simm.s32 $0x9;
	[dreg:$0x13] =	wrdreg s17;
	(pc) =	sbr.rel .LBB2_1-.Ltmp0, $4  }
0x21: {  	s10 =	simm.s32 $0xC;
	s6 =	sadd.s32 s12, s0;
	[dreg:$0x16] =	wrdreg s20  }
0x22: {  	s12 =	simm.s32 $0xE;
	[dreg:$0x11] =	wrdreg s6;
	s6 =	sshrl.u32 s14, $0x3  }
0x23: {  	s17 =	simm.s32 $0x0;
	s14 =	simm.s32 $0x10;
	s6 =	sadd.s32 s6, s0  }
0x24: {  	s0 =	simm.s32 $0xB;
	[dreg:$0x12] =	wrdreg s6;
	s6 =	simm.s32 $0x2  }
.LBB2_4:
0x25: {  	s15 =	simm.s32 $0x11  }
0x26: {  	_ =	swait.ge [sflag:s15], $0x3200  }
0x27: {  	[sflag:s15] =	ssyncset.done $0x0  }
0x28: {  	s19 =	simm.s32 $0x12;
	[sflag:s15] =	ssyncadd.s32 $0xFFFFCE00  }
0x29: {  	_ =	swait.ge [sflag:s19], $0x3200  }
0x2a: {  	[sflag:s19] =	ssyncset.done $0x0  }
0x2b: {  	s20 =	simm.s32 $0x13;
	[sflag:s19] =	ssyncadd.s32 $0xFFFFCE00  }
0x2c: {  	_ =	swait.ge [sflag:s20], $0x3200  }
0x2d: {  	[sflag:s20] =	ssyncset.done $0x0  }
0x2e: {  	s16 =	simm.s32 $0x14;
	[sflag:s20] =	ssyncadd.s32 $0xFFFFCE00  }
0x2f: {  	_ =	swait.ge [sflag:s16], $0x3200  }
0x30: {  	[sflag:s16] =	ssyncset.done $0x0  }
0x31: {  	s17 =	simm.s32 $0x15;
	[sflag:s16] =	ssyncadd.s32 $0xFFFFCE00  }
0x32: {  	_ =	swait.ge [sflag:s17], $0x3200  }
0x33: {  	[sflag:s17] =	ssyncset.done $0x0  }
0x34: {  	s18 =	simm.s32 $0x16;
	[sflag:s17] =	ssyncadd.s32 $0xFFFFCE00  }
0x35: {  	_ =	swait.ge [sflag:s18], $0x3200  }
0x36: {  	[sflag:s18] =	ssyncset.done $0x0  }
0x37: {  	s19 =	simm.s32 $0x17;
	[sflag:s18] =	ssyncadd.s32 $0xFFFFCE00  }
0x38: {  	_ =	swait.ge [sflag:s19], $0x3200  }
0x39: {  	[sflag:s19] =	ssyncset.done $0x0  }
0x3a: {  	s16 =	simm.s32 $0x18;
	[sflag:s19] =	ssyncadd.s32 $0xFFFFCE00  }
0x3b: {  	_ =	swait.ge [sflag:s16], $0x3200  }
0x3c: {  	s17 =	rddreg [dreg:$0x18]  }
0x3d: {  	s20 =	rddreg [dreg:$0x8];
	s17 =	sadd.s32 $0x1, s17  }
0x3e: {  	p0 =	sne.s32 s17, s20  }
.Ltmp1:
0x3f: {  	_ = 	snop;
	(pc) =	sbr.rel @!p0 .LBB2_5-.Ltmp1, $3  }
0x40: {  	_ =	sdelay $0x1  }
0x41: {  	[sflag:s16] =	ssyncset.done $0x0  }
0x42: {  	[sflag:s16] =	ssyncadd.s32 $0xFFFFCE00  }
.LBB2_1:
0x43: {  	[dreg:$0x18] =	wrdreg s17  }
0x44: {  	s15 =	rddreg [dreg:$0x4]  }
0x45: {  	s19 =	rddreg [dreg:$0x5]  }
0x46: {  	[tilespmem:s3], [sflag:$0x1] =	stream.linear.gather [hbm4b:s15+s3], $0xC8, $0x38;
	[tilespmem:$0x19640] =	vst v63  }
0x47: {  	s20 =	rddreg [dreg:$0x6]  }
0x48: {  	[tilespmem:s31], [sflag:$0x2] =	stream.linear.gather [hbm4b:s19+s3], $0xC8, $0x38;
	[tilespmem:$0x19640] =	vst v63  }
0x49: {  	s16 =	simm.s32 $0x190;
	s17 =	rddreg [dreg:$0x7]  }
0x4a: {  	[tilespmem:s16], [sflag:$0x3] =	stream.linear.gather [hbm4b:s20+s3], $0xC8, $0x38;
	[tilespmem:$0x19640] =	vst v63  }
0x4b: {  	s18 =	simm.s32 $0x258;
	s15 =	rddreg [dreg:$0x2]  }
0x4c: {  	[tilespmem:s18], [sflag:$0x4] =	stream.linear.gather [hbm4b:s17+s3], $0xC8, $0x38;
	[tilespmem:$0x19640] =	vst v63  }
0x4d: {  	s19 =	rddreg [dreg:$0x14];
	s20 =	simm.s32 $0x320  }
0x4e: {  	[tilespmem:s20], [sflag:$0x5] =	stream.linear.gather [hbm4b:s19+s3], $0xC8, $0x38;
	[tilespmem:$0x19640] =	vst v63  }
0x4f: {  	s16 =	rddreg [dreg:$0x15];
	s17 =	simm.s32 $0x3E8  }
0x50: {  	[tilespmem:s17], [sflag:$0x6] =	stream.linear.gather [hbm4b:s16+s3], $0xC8, $0x38;
	[tilespmem:$0x19640] =	vst v63  }
0x51: {  	s18 =	rddreg [dreg:$0x16];
	s19 =	simm.s32 $0x4B0  }
0x52: {  	[tilespmem:s19], [sflag:$0x7] =	stream.linear.gather [hbm4b:s18+s3], $0xC8, $0x38;
	[tilespmem:$0x19640] =	vst v63  }
0x53: {  	s20 =	rddreg [dreg:$0x17];
	s16 =	simm.s32 $0x0  }
0x54: {  	[tilespmem:s2], [sflag:$0x8] =	stream.linear.gather [hbm4b:s20+s3], $0xC8, $0x38;
	[tilespmem:$0x19640] =	vst v63  }
.LBB2_2:
0x55: {  	p0 =	seq.s32 s16, $0x0  }
0x56: {  	s17 =	simm.s32 @p0 $0x1  }
0x57: {  	_ =	swait.ge @p0 [sflag:s17], $0xC8  }
0x58: {  	s18 =	simm.s32 @p0 $0x0;
	[sflag:s17] =	ssyncset.done @p0 $0x0  }
0x59: {  	s19 =	simm.s32 @p0 $0x640;
	[sflag:s17] =	ssyncadd.s32 @p0 $0xFFFFFF38;
	s17 =	simm.s32 @p0 $0xC8  }
0x5a: {  	[tilespmem:s19], [sflag:$0x9] =	stream.indirect.gather @p0 [hbm4b:s4+s17], $0x40, s18, s17, $0xb8;
	[tilespmem:$0x19640] =	vst v63  }
0x5b: {  	s18 =	simm.s32 @!p0 $0x11  }
0x5c: {  	_ =	swait.ge @!p0 [sflag:s18], $0x3200  }
0x5d: {  	[sflag:s18] =	ssyncset.done @!p0 $0x0  }
0x5e: {  	[sflag:s18] =	ssyncadd.s32 @!p0 $0xFFFFCE00;
	s18 =	simm.s32 @!p0 $0x1  }
0x5f: {  	_ =	swait.ge @!p0 [sflag:s18], $0xC8  }
0x60: {  	s20 =	simm.s32 @!p0 $0x640;
	[sflag:s18] =	ssyncset.done @!p0 $0x0  }
0x61: {  	s19 =	simm.s32 @!p0 $0x0;
	[sflag:s18] =	ssyncadd.s32 @!p0 $0xFFFFFF38;
	s18 =	simm.s32 @!p0 $0xC8  }
0x62: {  	[tilespmem:s20], [sflag:$0x9] =	stream.indirect.gather @!p0 [hbm4b:s4+s18], $0x40, s19, s18, $0xb8;
	[tilespmem:$0x19640] =	vst v63  }
0x63: {  	s19 =	simm.s32 @!p0 $0x12  }
0x64: {  	_ =	swait.ge @!p0 [sflag:s19], $0x3200  }
0x65: {  	[sflag:s19] =	ssyncset.done @!p0 $0x0  }
0x66: {  	[sflag:s19] =	ssyncadd.s32 @!p0 $0xFFFFCE00  }
0x67: {  	_ =	swait.ge [sflag:s6], $0xC8  }
0x68: {  	[sflag:s6] =	ssyncset.done $0x0  }
0x69: {  	s19 =	simm.s32 @p0 $0x3;
	[sflag:s6] =	ssyncadd.s32 $0xFFFFFF38  }
0x6a: {  	[tilespmem:s7], [sflag:$0xA] =	stream.indirect.gather [hbm4b:s4+s31], $0x40, s31, s31, $0xb8;
	[tilespmem:$0x19640] =	vst v63  }
0x6b: {  	_ =	swait.ge @p0 [sflag:s19], $0xC8  }
0x6c: {  	[sflag:s19] =	ssyncset.done @p0 $0x0  }
0x6d: {  	s20 =	simm.s32 @p0 $0x6A40;
	[sflag:s19] =	ssyncadd.s32 @p0 $0xFFFFFF38;
	s19 =	simm.s32 @p0 $0x190  }
0x6e: {  	[tilespmem:s20], [sflag:$0xB] =	stream.indirect.gather @p0 [hbm4b:s4+s17], $0x40, s19, s17, $0xb8;
	[tilespmem:$0x19640] =	vst v63  }
0x6f: {  	s19 =	simm.s32 @!p0 $0x13  }
0x70: {  	_ =	swait.ge @!p0 [sflag:s19], $0x3200  }
0x71: {  	[sflag:s19] =	ssyncset.done @!p0 $0x0  }
0x72: {  	[sflag:s19] =	ssyncadd.s32 @!p0 $0xFFFFCE00;
	s19 =	simm.s32 @!p0 $0x3  }
0x73: {  	_ =	swait.ge @!p0 [sflag:s19], $0xC8  }
0x74: {  	[sflag:s19] =	ssyncset.done @!p0 $0x0  }
0x75: {  	s20 =	simm.s32 @!p0 $0x6A40;
	[sflag:s19] =	ssyncadd.s32 @!p0 $0xFFFFFF38;
	s19 =	simm.s32 @!p0 $0x190  }
0x76: {  	[tilespmem:s20], [sflag:$0xB] =	stream.indirect.gather @!p0 [hbm4b:s4+s18], $0x40, s19, s18, $0xb8;
	[tilespmem:$0x19640] =	vst v63  }
0x77: {  	s19 =	simm.s32 @!p0 $0x14  }
0x78: {  	_ =	swait.ge @!p0 [sflag:s19], $0x3200  }
0x79: {  	[sflag:s19] =	ssyncset.done @!p0 $0x0  }
0x7a: {  	[sflag:s19] =	ssyncadd.s32 @!p0 $0xFFFFCE00  }
0x7b: {  	_ =	swait.ge [sflag:s8], $0xC8  }
0x7c: {  	[sflag:s8] =	ssyncset.done $0x0  }
0x7d: {  	s20 =	simm.s32 $0x258;
	s19 =	simm.s32 @p0 $0x5;
	[sflag:s8] =	ssyncadd.s32 $0xFFFFFF38  }
0x7e: {  	[tilespmem:s9], [sflag:$0xC] =	stream.indirect.gather [hbm4b:s4+s31], $0x40, s20, s31, $0xb8;
	[tilespmem:$0x19640] =	vst v63  }
0x7f: {  	_ =	swait.ge @p0 [sflag:s19], $0xC8  }
0x80: {  	[sflag:s19] =	ssyncset.done @p0 $0x0  }
0x81: {  	s20 =	simm.s32 @p0 $0xCE40;
	[sflag:s19] =	ssyncadd.s32 @p0 $0xFFFFFF38;
	s19 =	simm.s32 @p0 $0x320  }
0x82: {  	[tilespmem:s20], [sflag:$0xD] =	stream.indirect.gather @p0 [hbm4b:s4+s17], $0x40, s19, s17, $0xb8;
	[tilespmem:$0x19640] =	vst v63  }
0x83: {  	s19 =	simm.s32 @!p0 $0x15  }
0x84: {  	_ =	swait.ge @!p0 [sflag:s19], $0x3200  }
0x85: {  	[sflag:s19] =	ssyncset.done @!p0 $0x0  }
0x86: {  	[sflag:s19] =	ssyncadd.s32 @!p0 $0xFFFFCE00;
	s19 =	simm.s32 @!p0 $0x5  }
0x87: {  	_ =	swait.ge @!p0 [sflag:s19], $0xC8  }
0x88: {  	[sflag:s19] =	ssyncset.done @!p0 $0x0  }
0x89: {  	s20 =	simm.s32 @!p0 $0xCE40;
	[sflag:s19] =	ssyncadd.s32 @!p0 $0xFFFFFF38;
	s19 =	simm.s32 @!p0 $0x320  }
0x8a: {  	[tilespmem:s20], [sflag:$0xD] =	stream.indirect.gather @!p0 [hbm4b:s4+s18], $0x40, s19, s18, $0xb8;
	[tilespmem:$0x19640] =	vst v63  }
0x8b: {  	s19 =	simm.s32 @!p0 $0x16  }
0x8c: {  	_ =	swait.ge @!p0 [sflag:s19], $0x3200  }
0x8d: {  	[sflag:s19] =	ssyncset.done @!p0 $0x0  }
0x8e: {  	[sflag:s19] =	ssyncadd.s32 @!p0 $0xFFFFCE00  }
0x8f: {  	_ =	swait.ge [sflag:s26], $0xC8  }
0x90: {  	[sflag:s26] =	ssyncset.done $0x0  }
0x91: {  	s20 =	simm.s32 $0x3E8;
	s19 =	simm.s32 @p0 $0x7;
	[sflag:s26] =	ssyncadd.s32 $0xFFFFFF38  }
0x92: {  	[tilespmem:s28], [sflag:$0xE] =	stream.indirect.gather [hbm4b:s4+s31], $0x40, s20, s31, $0xb8;
	[tilespmem:$0x19640] =	vst v63  }
0x93: {  	_ =	swait.ge @p0 [sflag:s19], $0xC8  }
0x94: {  	[sflag:s19] =	ssyncset.done @p0 $0x0  }
0x95: {  	s20 =	simm.s32 @p0 $0x13240;
	[sflag:s19] =	ssyncadd.s32 @p0 $0xFFFFFF38;
	s19 =	simm.s32 @p0 $0x4B0  }
0x96: {  	[tilespmem:s20], [sflag:$0xF] =	stream.indirect.gather @p0 [hbm4b:s4+s17], $0x40, s19, s17, $0xb8;
	[tilespmem:$0x19640] =	vst v63  }
0x97: {  	s17 =	simm.s32 @!p0 $0x17  }
0x98: {  	_ =	swait.ge @!p0 [sflag:s17], $0x3200  }
0x99: {  	[sflag:s17] =	ssyncset.done @!p0 $0x0  }
0x9a: {  	[sflag:s17] =	ssyncadd.s32 @!p0 $0xFFFFCE00;
	s17 =	simm.s32 @!p0 $0x7  }
0x9b: {  	_ =	swait.ge @!p0 [sflag:s17], $0xC8  }
0x9c: {  	[sflag:s17] =	ssyncset.done @!p0 $0x0  }
0x9d: {  	s19 =	simm.s32 @!p0 $0x13240;
	[sflag:s17] =	ssyncadd.s32 @!p0 $0xFFFFFF38;
	s17 =	simm.s32 @!p0 $0x4B0  }
0x9e: {  	[tilespmem:s19], [sflag:$0xF] =	stream.indirect.gather @!p0 [hbm4b:s4+s18], $0x40, s17, s18, $0xb8;
	[tilespmem:$0x19640] =	vst v63  }
0x9f: {  	s17 =	simm.s32 @!p0 $0x18  }
0xa0: {  	_ =	swait.ge @!p0 [sflag:s17], $0x3200  }
0xa1: {  	[sflag:s17] =	ssyncset.done @!p0 $0x0  }
0xa2: {  	[sflag:s17] =	ssyncadd.s32 @!p0 $0xFFFFCE00  }
0xa3: {  	_ =	swait.ge [sflag:s29], $0xC8  }
0xa4: {  	[sflag:s29] =	ssyncset.done $0x0  }
0xa5: {  	[sflag:s29] =	ssyncadd.s32 $0xFFFFFF38  }
0xa6: {  	[tilespmem:s30], [sflag:$0x10] =	stream.indirect.gather [hbm4b:s4+s31], $0x40, s2, s31, $0xb8;
	[tilespmem:$0x19640] =	vst v63  }
0xa7: {  	_ =	swait.ge [sflag:s5], $0x3200  }
0xa8: {  	s18 =	sadd.s32 s15, s23;
	[sflag:s5] =	ssyncset.done $0x0  }
0xa9: {  	s19 =	simm.s32 $0x640;
	p0 =	seq.s32 s16, $0x3138;
	[sflag:s5] =	ssyncadd.s32 $0xFFFFCE00  }
0xaa: {  	[hbm4b:s18+s3] =	stream.linear.scatter [tilespmem:s19], [sflag:$0x11], $0x3200, $0x38;
	[tilespmem:$0x19640] =	vst v63  }
0xab: {  	s17 =	sadd.s32 @!p0 s16, s21;
	s18 =	simm.s32 @!p0 $0x0  }
0xac: {  	[tilespmem:s18], [sflag:$0x1] =	stream.linear.gather @!p0 [hbm4b:s17+s18], $0xC8, $0x38;
	[tilespmem:$0x19640] =	vst v63  }
0xad: {  	_ =	swait.ge [sflag:s1], $0x3200  }
0xae: {  	[sflag:s1] =	ssyncset.done $0x0  }
0xaf: {  	s20 =	sadd.s32 s15, s25;
	s17 =	rddreg [dreg:$0x13];
	[sflag:s1] =	ssyncadd.s32 $0xFFFFCE00  }
0xb0: {  	[hbm4b:s20+s3] =	stream.linear.scatter [tilespmem:s7], [sflag:$0x12], $0x3200, $0x38;
	[tilespmem:$0x19640] =	vst v63  }
0xb1: {  	s19 =	simm.s32 @!p0 $0xC8;
	s17 =	sadd.s32 @!p0 s16, s17  }
0xb2: {  	[tilespmem:s19], [sflag:$0x2] =	stream.linear.gather @!p0 [hbm4b:s17+s18], $0xC8, $0x38;
	[tilespmem:$0x19640] =	vst v63  }
0xb3: {  	_ =	swait.ge [sflag:s0], $0x3200  }
0xb4: {  	s20 =	simm.s32 $0x6A40;
	[sflag:s0] =	ssyncset.done $0x0  }
0xb5: {  	s19 =	sadd.s32 s15, s24;
	s17 =	rddreg [dreg:$0x12];
	[sflag:s0] =	ssyncadd.s32 $0xFFFFCE00  }
0xb6: {  	[hbm4b:s19+s3] =	stream.linear.scatter [tilespmem:s20], [sflag:$0x13], $0x3200, $0x38;
	[tilespmem:$0x19640] =	vst v63  }
0xb7: {  	s17 =	sadd.s32 @!p0 s16, s17;
	s19 =	simm.s32 @!p0 $0x190  }
0xb8: {  	[tilespmem:s19], [sflag:$0x3] =	stream.linear.gather @!p0 [hbm4b:s17+s18], $0xC8, $0x38;
	[tilespmem:$0x19640] =	vst v63  }
0xb9: {  	_ =	swait.ge [sflag:s10], $0x3200  }
0xba: {  	[sflag:s10] =	ssyncset.done $0x0  }
0xbb: {  	s20 =	sadd.s32 s15, s22;
	s17 =	rddreg [dreg:$0x11];
	[sflag:s10] =	ssyncadd.s32 $0xFFFFCE00  }
0xbc: {  	[hbm4b:s20+s3] =	stream.linear.scatter [tilespmem:s9], [sflag:$0x14], $0x3200, $0x38;
	[tilespmem:$0x19640] =	vst v63  }
0xbd: {  	s19 =	simm.s32 @!p0 $0x258;
	s17 =	sadd.s32 @!p0 s16, s17  }
0xbe: {  	[tilespmem:s19], [sflag:$0x4] =	stream.linear.gather @!p0 [hbm4b:s17+s18], $0xC8, $0x38;
	[tilespmem:$0x19640] =	vst v63  }
0xbf: {  	_ =	swait.ge [sflag:s11], $0x3200  }
0xc0: {  	[sflag:s11] =	ssyncset.done $0x0;
	s19 =	rddreg [dreg:$0x10]  }
0xc1: {  	s20 =	simm.s32 $0xCE40;
	[sflag:s11] =	ssyncadd.s32 $0xFFFFCE00;
	s17 =	sadd.s32 s15, s19  }
0xc2: {  	[hbm4b:s17+s3] =	stream.linear.scatter [tilespmem:s20], [sflag:$0x15], $0x3200, $0x38;
	[tilespmem:$0x19640] =	vst v63  }
0xc3: {  	s17 =	rddreg [dreg:$0xf]  }
0xc4: {  	s19 =	simm.s32 @!p0 $0x320;
	s17 =	sadd.s32 @!p0 s16, s17  }
0xc5: {  	[tilespmem:s19], [sflag:$0x5] =	stream.linear.gather @!p0 [hbm4b:s17+s18], $0xC8, $0x38;
	[tilespmem:$0x19640] =	vst v63  }
0xc6: {  	_ =	swait.ge [sflag:s12], $0x3200  }
0xc7: {  	[sflag:s12] =	ssyncset.done $0x0;
	s20 =	rddreg [dreg:$0xe]  }
0xc8: {  	[sflag:s12] =	ssyncadd.s32 $0xFFFFCE00;
	s17 =	sadd.s32 s15, s20  }
0xc9: {  	[hbm4b:s17+s3] =	stream.linear.scatter [tilespmem:s28], [sflag:$0x16], $0x3200, $0x38;
	[tilespmem:$0x19640] =	vst v63  }
0xca: {  	s17 =	rddreg [dreg:$0xd]  }
0xcb: {  	s19 =	simm.s32 @!p0 $0x3E8;
	s17 =	sadd.s32 @!p0 s16, s17  }
0xcc: {  	[tilespmem:s19], [sflag:$0x6] =	stream.linear.gather @!p0 [hbm4b:s17+s18], $0xC8, $0x38;
	[tilespmem:$0x19640] =	vst v63  }
0xcd: {  	_ =	swait.ge [sflag:s13], $0x3200  }
0xce: {  	[sflag:s13] =	ssyncset.done $0x0;
	s19 =	rddreg [dreg:$0xc]  }
0xcf: {  	s20 =	simm.s32 $0x13240;
	[sflag:s13] =	ssyncadd.s32 $0xFFFFCE00;
	s17 =	sadd.s32 s15, s19  }
0xd0: {  	[hbm4b:s17+s3] =	stream.linear.scatter [tilespmem:s20], [sflag:$0x17], $0x3200, $0x38;
	[tilespmem:$0x19640] =	vst v63  }
0xd1: {  	s17 =	rddreg [dreg:$0xb]  }
0xd2: {  	s19 =	simm.s32 @!p0 $0x4B0;
	s17 =	sadd.s32 @!p0 s16, s17  }
0xd3: {  	[tilespmem:s19], [sflag:$0x7] =	stream.linear.gather @!p0 [hbm4b:s17+s18], $0xC8, $0x38;
	[tilespmem:$0x19640] =	vst v63  }
.Ltmp2:
0xd4: {  	_ = 	snop;
	(pc) =	sbr.rel @p0 .LBB2_4-.Ltmp2, $4  }
0xd5: {  	_ =	swait.ge [sflag:s14], $0x3200  }
0xd6: {  	[sflag:s14] =	ssyncset.done $0x0;
	s20 =	rddreg [dreg:$0xa]  }
0xd7: {  	[sflag:s14] =	ssyncadd.s32 $0xFFFFCE00;
	s17 =	sadd.s32 s15, s20  }
0xd8: {  	[hbm4b:s17+s3] =	stream.linear.scatter [tilespmem:s30], [sflag:$0x18], $0x3200, $0x38;
	[tilespmem:$0x19640] =	vst v63  }
.Ltmp3:
0xd9: {  	(pc) =	sbr.rel .LBB2_2-.Ltmp3, $4  }
0xda: {  	_ = 	snop  }
0xdb: {  	s17 =	rddreg [dreg:$0x9]  }
0xdc: {  	s15 =	sadd.s32 $0x3200, s15;
	s17 =	sadd.s32 s16, s17;
	s16 =	sadd.s32 $0xC8, s16  }
0xdd: {  	[tilespmem:s2], [sflag:$0x8] =	stream.linear.gather [hbm4b:s17+s3], $0xC8, $0x38;
	[tilespmem:$0x19640] =	vst v63  }
.LBB2_5:
0xde: {  	_ =	sfence.sel $0x180000  }
0xdf: {  	[bflag:$0x0] =	sbarrier.arrive $0xFFFF  }
0xe0: {  	_ =	strace $0x90000047  }
0xe1: {  	s0 =	stileid.u32;
	[bflag:$0x2] =	sbarrier.arrive $0xFFFF  }
0xe2: {  	p0 =	sne.s32 s0, $0x0;
	s0 =	rddreg [dreg:$0x3]  }
0xe3: {  	s0 =	sadd.s32 @!p0 $0x100000, s0  }
0xe4: {  	[sflag:s0] =	ssyncadd.tile.s32 @!p0 $0x1;
	_ =	shalt  }
.Lfunc_end2:
_tile_overlayer_lowered:
.L_overlay_start_2:
0xe5: {  	(tag) =	ssettag $0x2  }
0xe6: {  	s0 =	rddreg [dreg:$0x0];
	s2 =	stileid.u32  }
0xe7: {  	s1 =	rddreg [dreg:$0x1];
	p0 =	sne.s32 s2, $0x0  }
0xe8: {  	s3 =	rddreg [dreg:$0x2];
	[bflag:$0x3] =	sbarrier.arrive $0xFFFF;
	s2 =	simm.s32 @!p0 $0x1C19  }
0xe9: {  	[timem:s3], [sflag:s2] =	dma.local @!p0 [hbm:s0], s1  }
0xea: {  	s0 =	simm.s32 @!p0 $0x19  }
0xeb: {  	_ =	swait.ge @!p0 [sflag:s0], s1  }
0xec: {  	s1 =	ssub.s32 @!p0 $0x0, s1;
	[sflag:s0] =	ssyncset.done @!p0 $0x0  }
0xed: {  	[sflag:s0] =	ssyncadd.s32 @!p0 s1  }
0xee: {  	[bflag:$0x3] =	sbarrier.arrive $0xFFFF  }
0xef: {  	_ =	shalt  }

// kernel: sparse-core-data-format-call.cloned.1.call-start
scs
called_computation_lowered:
.L_overlay_start_0:
0x0: {  	s2 =	sld [smem:$0x3FD9]  }
0x1: {  	s3 =	sld [smem:$0x3FFE];
	_ =	sdelay $0x1  }
0x2: {  	s1 =	srdreg.scid  }
0x3: {  	s0 =	sand.u32 $0x1, s1  }
0x4: {  	s18 =	sshll.u32 s0, $0xA;
	s2 =	sadd.s32 s3, s2  }
0x5: {  	s2 =	sadd.s32 s2, s18  }
0x6: {  	[smem:$0x3FC6] =	sst s2  }
0x7: {  	_ = 	snop  }
0x8: {  	s2 =	sld [smem:$0x3FD0];
	(tm) =	ssettm $0x1  }
0x9: {  	s19 =	sld [smem:$0x3FFB];
	_ =	sdelay $0x3  }
0xa: {  	_ =	strace s19  }
0xb: {  	s3 =	sld [smem:$0x3FFC];
	_ =	sdelay $0x3  }
0xc: {  	_ =	strace s3  }
0xd: {  	s3 =	sld [smem:$0x3FFD];
	_ =	sdelay $0x3  }
0xe: {  	_ =	strace s3  }
0xf: {  	_ =	strace $0x8FFFFFFF  }
0x10: {  	s20 =	sld [smem:$0x3FDB];
	_ =	sdelay $0x1  }
0x11: {  	s4 =	simm.s32 $_scs_section_size  }
0x12: {  	s5 =	simm.s32 $_size__tile_overlayer_lowered;
	s6 =	simm.s32 $_tile_overlayer_lowered  }
0x13: {  	s23 =	simm.s32 $0x1BFF;
	s22 =	sshll.u32 s6, $0x1;
	s3 =	sadd.s32 s4, s20  }
0x14: {  	s7 =	simm.s32 $0x0;
	s21 =	sshll.u32 s5, $0x1;
	s5 =	sadd.s32 s22, s3  }
0x15: {  	[timem:s7], [sflag:s23] =	dma.local [hbm:s5], s21  }
0x16: {  	_ =	swait.ge [sflag:s23], s21  }
0x17: {  	s4 =	ssub.s32 $0x0, s21;
	[sflag:s23] =	ssyncset.done $0x0  }
0x18: {  	[sflag:s23] =	ssyncadd.s32 s4;
	_ =	sdelay $0x1  }
0x19: {  	s24 =	simm.s32 $0x1B8B  }
0x1a: {  	_ =	swait.ge [sflag:s24], $0x1  }
0x1b: {  	[sflag:s24] =	ssyncset.done $0x0  }
0x1c: {  	s26 =	simm.s32 $0x1B8E;
	s25 =	sld [smem:$0x3FFE];
	[sflag:s24] =	ssyncadd.s32 $0xFFFFFFFF  }
0x1d: {  	s27 =	simm.s32 $execute0_lowered;
	[smem:$0x3FD2] =	sst s26  }
0x1e: {  	s5 =	sshll.u32 s27, $0x1;
	_ =	strace $0x80000049;
	[dreg:$0x1] =	wrdreg $0xFFFFFFFF  }
0x1f: {  	s28 =	simm.s32 $_size_execute0_lowered;
	s3 =	sadd.s32 s3, s5;
	[dreg:$0x0] =	wrdreg $0x0  }
0x20: {  	s5 =	sshll.u32 s28, $0x1;
	[dreg:$0x2] =	wrdreg s3  }
0x21: {  	[dreg:$0x3] =	wrdreg s5  }
0x22: {  	[dreg:$0x4] =	wrdreg $0xC0  }
0x23: {  	_ =	task [dreg:s7], $0x5FFFF  }
0x24: {  	[dreg:$0x1] =	wrdreg $0xFFFFFFFF  }
0x25: {  	[dreg:$0x0] =	wrdreg $0x60  }
0x26: {  	[dreg:$0x2] =	wrdreg s25  }
0x27: {  	[dreg:$0x3] =	wrdreg s2  }
0x28: {  	[dreg:$0x4] =	wrdreg $0x9  }
0x29: {  	_ =	task.clear_ibuf [dreg:s7], $0x5FFFF;
	_ =	strace $0x90000049  }
0x2a: {  	s29 =	simm.s32 $0x9;
	_ =	strace $0x8000004B  }
0x2b: {  	_ =	swait.ge [sflag:s29], $0x1  }
0x2c: {  	[sflag:s29] =	ssyncadd.s32 $0xFFFFFFFF  }
0x2d: {  	_ =	strace $0x9000004B  }
0x2e: {  	_ =	sfence  }
0x2f: {  	s30 =	sld [smem:$0x0];
	_ =	sdelay $0x2  }
0x30: {  	s31 =	sshll.u32 s1, $0xD;
	s1 =	sshrl.u32 s1, $0x2  }
0x31: {  	s3 =	sand.u32 $0x4000, s31;
	s1 =	sadd.s32 s1, s30  }
0x32: {  	s0 =	sor.u32 s3, s0;
	s1 =	sshll.u32 s1, $0x11  }
0x33: {  	s0 =	sor.u32 s1, s0  }
0x34: {  	s0 =	sadd.s32 $0x8F2B, s0  }
0x35: {  	[sflag:s0] =	ssyncadd.remote.s32 $0x1  }
0x36: {  	_ =	sfence.sel $0xFFFF  }
0x37: {  	[dreg:$0x0] =	wrdreg $0xFFFFFFFF;
	(pc) =	sbr.abs _section_cstart, $3  }
0x38: {  	[dreg:$0x1] =	wrdreg $0xFFFFFFFF  }
0x39: {  	_ =	task.clear_ibuf [dreg:s7], $0x2FFFF;
	_ =	strace $0x9FFFFFFF  }
0x3a: {  	(tm) =	ssettm $0x7FFFFFFF  }
0x3b: {  	_ =	shalt  }
tec
execute0_lowered:
.L_overlay_start_1:
0x0: {  	(tag) =	ssettag $0x1  }
0x1: {  	s0 =	srdreg.scid  }
0x2: {  	s1 =	sshll.u32 s0, $0x4  }
0x3: {  	s4 =	rddreg [dreg:$0x0];
	s0 =	stileid.u32;
	s1 =	sand.u32 $0x10, s1  }
0x4: {  	s2 =	rddreg [dreg:$0x1];
	s7 =	simm.s32 $0x1;
	s1 =	sor.u32 s0, s1  }
0x5: {  	s8 =	simm.s32 $0x2;
	s11 =	simm.s32 $0x0;
	s3 =	sshll.u32 s1, $0x7  }
0x6: {  	s10 =	simm.s32 $0x0;
	s4 =	sadd.s32 $0x800, s4;
	s6 =	ssub.s32 $0x320000, s3  }
.Ltmp0:
0x7: {  	s1 =	rddreg [dreg:$0x2];
	s5 =	sand.u32 $0xF80, s6;
	(pc) =	sbr.rel .LBB1_1-.Ltmp0, $4  }
0x8: {  	_ =	strace $0x8000004A;
	s9 =	smov.u32 s3;
	p0 =	sne.s32 s5, $0x0  }
0x9: {  	s6 =	sshrl.u32 s6, $0xC;
	s5 =	simm.s32 $0x1;
	s7 =	simm.s32 @!p0 $0x0  }
0xa: {  	[sflag:s5] =	ssyncpa.u1 $0x0;
	p0 =	por $0x0, $0x0;
	s6 =	sadd.s32 s7, s6  }
0xb: {  	[sflag:s8] =	ssyncpa.u1 $0x0;
	s8 =	simm.s32 $0x1900000;
	s7 =	sadd.s32 $0x1, s6  }
.LBB1_4:
0xc: {  	s14 =	sshll.u32 s11, $0x3  }
0xd: {  	s30 =	sand.u32 $0x7F, s11;
	s15 =	sand.u32 $0xFFFFFC00, s14  }
0xe: {  	s11 =	sor.u32 s30, s15  }
0xf: {  	s15 =	smulhi.u32 $0x51EB851F, s11  }
0x10: {  	s14 =	smulhi.u32 $0x51EB851F, s14  }
0x11: {  	s15 =	sshrl.u32 s15, $0x14  }
0x12: {  	s14 =	sshrl.u32 s14, $0x14;
	s15 =	smul.u32 $0x320000, s15  }
0x13: {  	s14 =	sand.u32 $0x3F, s14  }
0x14: {  	s14 =	smul.u32 $0x64000, s14;
	s11 =	ssub.s32 s11, s15  }
0x15: {  	[tilespmem:s13+$0x810 ss:$0x81] =	vst.msk $0xffff, v2;
	s15 =	sand.u32 $0x7, s11  }
0x16: {  	[tilespmem:s13+$0x1020 ss:$0x81] =	vst.msk $0xffff, v0;
	s14 =	sadd.s32 s2, s14;
	s11 =	sshrl.u32 s11, $0x3;
	s15 =	sshll.u32 s15, $0x12  }
0x17: {  	[tilespmem:s13+$0x0 ss:$0x81] =	vst.msk $0xffff, v1;
	s11 =	sadd.s32 s11, s14;
	s31 =	sor.u32 $0x400, s15  }
0x18: {  	[hbm4b:s11+s31] =	stream.strided.scatter [tilespmem:s12], [sflag:$0x2], $0x2000, s8, s31, $0x20;
	[tilespmem:$0x8080] =	vst v63  }
.LBB1_5:
0x19: {  	s13 =	sadd.s32 $0x1000, s9  }
0x1a: {  	p2 =	sgt.s32 s13, $0x31FFFF  }
0x1b: {  	s13 =	smov.u32 @p2 s3;
	p2 =	sne.s32 s10, s7  }
.Ltmp1:
0x1c: {  	p1 =	slt.u32 s10, $0x2;
	(pc) =	sbr.rel @!p2 .LBB1_6-.Ltmp1, $4  }
0x1d: {  	s12 =	simm.s32 @!p1 $0x2  }
0x1e: {  	s14 =	sadd.s32 $0x1, s10;
	_ =	swait.ge @!p1 [sflag:s12], $0x2000  }
0x1f: {  	s11 =	smov.u32 s9;
	p0 =	por !p0, !p0;
	[sflag:s12] =	ssyncset.done @!p1 $0x0  }
0x20: {  	s10 =	smov.u32 s14;
	s9 =	smov.u32 s13;
	[sflag:s12] =	ssyncadd.s32 @!p1 $0xFFFFE000  }
.LBB1_1:
0x21: {  	p1 =	sge.u32 s10, s6  }
0x22: {  	s12 =	sand.u32 @!p1 $0x1FFFFFF, s9  }
0x23: {  	s13 =	smulhi.u32 @!p1 $0x147AE15, s12;
	_ =	sdelay $0x1  }
0x24: {  	s13 =	sshrl.u32 @!p1 s13, $0xE  }
0x25: {  	s13 =	smul.u32 @!p1 $0x320000, s13;
	_ =	sdelay $0x1  }
0x26: {  	s31 =	sadd.s32 $0xFFFFFFFF, s10;
	s14 =	sxor.u32 @!p1 $0xFFFFFFFF, s10;
	s12 =	ssub.s32 @!p1 s12, s13  }
0x27: {  	s15 =	simm.s32 @!p1 $0x80;
	s14 =	sshll.u32 @!p1 s14, $0xD;
	s12 =	sshll.u32 @!p1 s12, $0x4  }
0x28: {  	s13 =	sand.u32 @!p1 $0x2000, s14;
	s14 =	simm.s32 @!p1 $0x40;
	s12 =	sadd.s32 @!p1 s4, s12  }
0x29: {  	[tilespmem:s13], [sflag:$0x1] =	stream.strided.gather @!p1 [hbm4b:s12+s14], $0x2000, s15, s14, $0x38;
	[tilespmem:$0x8080] =	vst v63  }
0x2a: {  	p1 =	sge.u32 s31, s6  }
.Ltmp2:
0x2b: {  	_ = 	snop;
	(pc) =	sbr.rel @p1 .LBB1_5-.Ltmp2, $1  }
0x2c: {  	_ =	sdelay $0x3  }
0x2d: {  	s12 =	simm.s32 $0x1  }
0x2e: {  	_ =	swait.ge [sflag:s5], $0x2000;
	s12 =	simm.s32 @!p0 $0x0  }
0x2f: {  	[sflag:s5] =	ssyncset.done $0x0;
	s13 =	sshll.u32 s12, $0xD  }
0x30: {  	[sflag:s5] =	ssyncadd.s32 $0xFFFFE000;
	s16 =	sor.u32 $0x20, s13  }
0x31: {  	s12 =	smul.u32 $0x8100, s12;
	v3 =	vld [tilespmem:s16+$0x10]  }
0x32: {  	s30 =	sand.u32 $0x1, s10;
	v2 =	vld [tilespmem:s16+$0xFFFFFFF0]  }
0x33: {  	s13 =	smul.u32 $0x8100, s30;
	s12 =	sshrl.u32 s12, $0x2;
	v0 =	vld [tilespmem:s16+$0x0]  }
0x34: {  	v1 =	vld [tilespmem:s16+$0xFFFFFFE0];
	s14 =	sor.u32 $0x4000, s12  }
0x35: {  	s31 =	sshrl.u32 s13, $0x2;
	s13 =	sadd.s32 $0x0, s14  }
0x36: {  	s15 =	simm.s32 $0x4;
	s16 =	sadd.s32 $0x40, s16;
	s12 =	sor.u32 $0x4000, s31;
	[tilespmem:s13+$0x1830 ss:$0x81] =	vst.msk $0xffff, v3  }
.LBB1_3:
0x37: {  	v3 =	vld [tilespmem:s16+$0x10];
	p1 =	sne.s32 s15, $0x1FC;
	[tilespmem:s13+$0x810 ss:$0x81] =	vst.msk $0xffff, v2;
	s17 =	smov.u32 s15;
	s15 =	sadd.s32 $0x4, s15  }
.Ltmp3:
0x38: {  	v2 =	vld [tilespmem:s16+$0xFFFFFFF0];
	[tilespmem:s13+$0x1020 ss:$0x81] =	vst.msk $0xffff, v0;
	(pc) =	sbr.rel @p1 .LBB1_3-.Ltmp3, $4  }
0x39: {  	v0 =	vld [tilespmem:s16+$0x0];
	[tilespmem:s13+$0x0 ss:$0x81] =	vst.msk $0xffff, v1  }
0x3a: {  	s13 =	sshra.s32 s17, $0x2;
	v1 =	vld [tilespmem:s16+$0xFFFFFFE0]  }
0x3b: {  	s13 =	sadd.s32 s13, s14  }
0x3c: {  	s16 =	sadd.s32 $0x40, s16;
	[tilespmem:s13+$0x1830 ss:$0x81] =	vst.msk $0xffff, v3  }
.Ltmp4:
0x3d: {  	_ = 	snop;
	(pc) =	sbr.rel .LBB1_4-.Ltmp4, $1  }
0x3e: {  	_ =	sdelay $0x3  }
.LBB1_6:
0x3f: {  	_ =	sfence.sel $0x180000  }
0x40: {  	s2 =	simm.s32 $0x1;
	[bflag:$0x0] =	sbarrier.arrive $0xFFFF  }
0x41: {  	s31 =	simm.s32 $0x2;
	[sflag:s2] =	ssyncpa.u1 $0x1  }
0x42: {  	[sflag:s31] =	ssyncpa.u1 $0x1  }
0x43: {  	p0 =	sne.s32 s0, $0x0;
	_ =	strace $0x9000004A  }
0x44: {  	s0 =	sadd.s32 @!p0 $0x100000, s1;
	[bflag:$0x2] =	sbarrier.arrive $0xFFFF  }
0x45: {  	[sflag:s0] =	ssyncadd.tile.s32 @!p0 $0x1;
	_ =	shalt  }
.Lfunc_end1:
_tile_overlayer_lowered:
.L_overlay_start_2:
0x46: {  	(tag) =	ssettag $0x2  }
0x47: {  	s0 =	rddreg [dreg:$0x0];
	s2 =	stileid.u32  }
0x48: {  	s1 =	rddreg [dreg:$0x1];
	p0 =	sne.s32 s2, $0x0  }
0x49: {  	s3 =	rddreg [dreg:$0x2];
	[bflag:$0x3] =	sbarrier.arrive $0xFFFF;
	s2 =	simm.s32 @!p0 $0x1C01  }
0x4a: {  	[timem:s3], [sflag:s2] =	dma.local @!p0 [hbm:s0], s1  }
0x4b: {  	s0 =	simm.s32 @!p0 $0x1  }
0x4c: {  	_ =	swait.ge @!p0 [sflag:s0], s1  }
0x4d: {  	s1 =	ssub.s32 @!p0 $0x0, s1;
	[sflag:s0] =	ssyncset.done @!p0 $0x0  }
0x4e: {  	[sflag:s0] =	ssyncadd.s32 @!p0 s1  }
0x4f: {  	[bflag:$0x3] =	sbarrier.arrive $0xFFFF  }
0x50: {  	_ =	shalt  }

</sc_bundles>
